<compile_context>
chip_gen: v7x
topology: tpu7x:2x2x1
jax: 0.10.2.dev20260603
libtpu: 0.0.44.dev20260713+nightly
codegen_flags: <defaults>
</compile_context>

<pallas_src>
import functools

import jax
import jax.numpy as jnp
from jax import lax
from jax.experimental import pallas as pl
from jax.experimental.pallas import tpu as pltpu
from jax.experimental.pallas import tpu_sc as plsc

B = 128
D = 128
M = 100000
C = 1000
CP = 1024
TEMP = 0.05

NC = 2
NS = 16
NW = NC * NS
NM = 4
ND = 8
LANES = 16
MW = M // NM
MB = 2500
NCHUNK = MW // MB
NFULL = MB // LANES
TAIL = MB - NFULL * LANES
MBP = (NFULL + 1) * LANES
MWP = MW + 2 * LANES


@functools.cache
def _make_sc_segsum():
    mesh = plsc.VectorSubcoreMesh(core_axis_name="c", subcore_axis_name="s",
                                  num_cores=NC, num_subcores=NS)
    return functools.partial(
        pl.kernel,
        out_type=(
            jax.ShapeDtypeStruct((NM, CP, D), jnp.float32),
            jax.ShapeDtypeStruct((NM, CP), jnp.float32),
            jax.ShapeDtypeStruct((B,), jnp.int32),
        ),
        mesh=mesh,
        scratch_types=[
            pltpu.VMEM((2, MBP, LANES), jnp.float32),
            pltpu.VMEM((MWP,), jnp.int32),
            pltpu.VMEM((CP, LANES), jnp.float32),
            pltpu.VMEM((CP,), jnp.float32),
            pltpu.VMEM((B,), jnp.int32),
            pltpu.VMEM((B,), jnp.int32),
            pltpu.SemaphoreType.DMA,
            pltpu.SemaphoreType.DMA,
            pltpu.SemaphoreType.DMA,
            pltpu.SemaphoreType.DMA,
        ],
        compiler_params=pltpu.CompilerParams(use_tc_tiling_on_sc=False,
                                             needs_layout_passes=False),
    )(_sc_segsum_body)


def _sc_segsum_body(features_hbm, labels_hbm, indexes_hbm,
                    seg_out, cnt_out, tgt_out,
                    fbuf, lbuf, accv, cntv, idxv, tgtv, lsem, fsem0, fsem1,
                    tsem):
    cid = lax.axis_index("c")
    sid = lax.axis_index("s")
    wid = sid * NC + cid
    mrange = wid // ND
    dchunk = lax.rem(wid, ND)
    m0 = mrange * MW
    d0 = dchunk * LANES
    fsems = (fsem0, fsem1)

    def feat_dma(k, b):
        return pltpu.make_async_copy(
            features_hbm.at[pl.ds(m0 + k * MB, MB), pl.ds(d0, LANES)],
            fbuf.at[b, pl.ds(0, MB), :], fsems[b])

    lab_dma = pltpu.make_async_copy(labels_hbm.at[pl.ds(m0, MW)],
                                    lbuf.at[pl.ds(0, MW)], lsem)
    lab_dma.start()
    feat_dma(0, 0).start()
    feat_dma(1, 1).start()

    @pl.when(wid == 1)
    def _():
        pltpu.sync_copy(indexes_hbm, idxv)
        pltpu.async_copy(labels_hbm.at[idxv], tgtv, tsem).wait()
        pltpu.sync_copy(tgtv, tgt_out)

    zero16 = jnp.zeros((LANES,), jnp.float32)

    def zero_acc(r, carry):
        accv[r, :] = zero16
        return carry

    lax.fori_loop(0, CP, zero_acc, 0)

    def zero_cnt(r, carry):
        cntv[pl.ds(r * LANES, LANES)] = zero16
        return carry

    lax.fori_loop(0, CP // LANES, zero_cnt, 0)
    lab_dma.wait()

    iota16 = lax.iota(jnp.int32, LANES)
    ones16 = jnp.ones((LANES,), jnp.float32)
    tail_msk = iota16 < TAIL
    cvecs = [jnp.bitwise_and(iota16 + cc, LANES - 1) for cc in range(LANES)]

    def do_block(fb, lbase, rowm, lv):
        vals = [plsc.load_gather(fb, [rowm, cvecs[cc]])
                for cc in range(LANES)]
        for cc in range(LANES):
            plsc.addupdate_scatter(accv, [lv, cvecs[cc]], vals[cc])

    def process_chunk(k, b):
        fb = fbuf.at[b]
        koff = k * MB

        @plsc.parallel_loop(0, NFULL * LANES, step=LANES, unroll=2)
        def block_body(base):
            rowm = base + iota16
            lv = lbuf[pl.ds(koff + base, LANES)]
            do_block(fb, koff + base, rowm, lv)

            @pl.when(dchunk == 0)
            def _():
                plsc.addupdate_scatter(cntv, [lv], ones16)
        base = NFULL * LANES
        rowm = base + iota16
        lv = jnp.where(tail_msk, lbuf[pl.ds(koff + base, LANES)], 0)
        for cc in range(LANES):
            cvec = jnp.bitwise_and(iota16 + cc, LANES - 1)
            vals = plsc.load_gather(fb, [rowm, cvec], mask=tail_msk)
            plsc.addupdate_scatter(accv, [lv, cvec], vals, mask=tail_msk)

        @pl.when(dchunk == 0)
        def _():
            plsc.addupdate_scatter(cntv, [lv], ones16, mask=tail_msk)

    def pair_body(i, carry):
        for b in range(2):
            k = 2 * i + b
            feat_dma(k, b).wait()
            process_chunk(k, b)

            @pl.when(i < NCHUNK // 2 - 1)
            def _():
                feat_dma(k + 2, b).start()

        return carry

    lax.fori_loop(0, NCHUNK // 2, pair_body, 0)

    pltpu.sync_copy(accv, seg_out.at[mrange, :, pl.ds(d0, LANES)])

    @pl.when(dchunk == 0)
    def _():
        pltpu.sync_copy(cntv, cnt_out.at[mrange])


def _tc_body(feat_ref, gen_ref, aug_ref, seg_ref, cnt_ref, tcol_ref, trow_ref,
             out_ref):
    inv_temp = 1.0 / TEMP

    def norm(x):
        n = jnp.sqrt(jnp.sum(x * x, axis=1, keepdims=True))
        return x / jnp.maximum(n, 1e-12)

    def dot_t(a, b):
        return lax.dot_general(a, b, (((1,), (1,)), ((), ())),
                               precision=lax.Precision.HIGHEST,
                               preferred_element_type=jnp.float32)

    ori = norm(feat_ref[...])
    gen = norm(gen_ref[...])
    aug = norm(aug_ref[...])
    sim_ori = dot_t(ori, ori) * inv_temp
    sim_gen = dot_t(ori, gen) * inv_temp
    sim_aug = dot_t(ori, aug) * inv_temp

    seg = jnp.sum(seg_ref[...], axis=0)
    cnt = jnp.sum(cnt_ref[...], axis=0, keepdims=True)
    mask = (cnt > 0).astype(jnp.float32)
    sim_t = dot_t(aug, seg) * inv_temp
    denom = mask * cnt + (1.0 - mask)
    sim_t = sim_t / denom
    exps = jnp.exp(sim_t) * mask
    sums = jnp.sum(exps, axis=1, keepdims=True) + 1e-6
    msim = exps / sums

    tcol = tcol_ref[...]
    cols = lax.broadcasted_iota(jnp.int32, (B, CP), 1)
    oneh = cols == tcol
    pick = jnp.sum(jnp.where(oneh, msim, 0.0), axis=1, keepdims=True)
    spcl = -jnp.mean(jnp.log(pick + 1e-6))

    trow = trow_ref[...]
    same = tcol == trow
    diff = jnp.logical_not(same).astype(jnp.float32)
    exp_ori = jnp.exp(sim_ori)
    exp_gen = jnp.exp(sim_gen)
    exp_aug = jnp.exp(sim_aug)
    gsum = jnp.sum(exp_gen, axis=1, keepdims=True)
    exp_sum_co = jnp.sum(diff * (exp_ori + exp_aug), axis=1, keepdims=True)
    denom_co = exp_sum_co + gsum + 1e-6
    term_o = -jnp.log(exp_ori / (exp_ori + denom_co) + 1e-6)
    term_a = -jnp.log(exp_aug / (exp_aug + denom_co) + 1e-6)
    co = jnp.sum(jnp.where(same, term_o + term_a, 0.0)) / B
    exp_sum_ad = jnp.sum(diff * exp_gen, axis=1, keepdims=True)
    denom_ad = (exp_sum_ad + jnp.sum(exp_aug, axis=1, keepdims=True)
                + jnp.sum(exp_ori, axis=1, keepdims=True) + 1e-6)
    term_g = -jnp.log(exp_gen / (exp_gen + denom_ad) + 1e-6)
    ad = jnp.sum(jnp.where(same, term_g, 0.0)) / B

    li = lax.broadcasted_iota(jnp.int32, (1, B), 1)
    out_ref[...] = jnp.where(
        li == 0, spcl, jnp.where(li == 1, ad, jnp.where(li == 2, co, 0.0)))


_tc_call = pl.pallas_call(
    _tc_body,
    out_shape=jax.ShapeDtypeStruct((1, B), jnp.float32),
)


def kernel(feat, feat_gen, feat_aug, indexes, features, labels):
    seg_parts, cnt_parts, targets = _make_sc_segsum()(
        features, labels, indexes)
    tcol = targets.reshape(B, 1)
    trow = targets.reshape(1, B)
    o = _tc_call(feat, feat_gen, feat_aug, seg_parts, cnt_parts, tcol, trow)
    return (o[0, 0], o[0, 1], o[0, 2])

# --- scband reference (transcript-rebuilt; emitter-appended) ---
"""Pipeline reference for scband-hybrid-memory-62079457296450 (READ-ONLY COPY).

The authoritative reference and input builder live on the scoring server;
editing this copy changes nothing except your own understanding.
"""

import jax, jax.numpy as jnp
import numpy as np

B = 128
D = 128
M = 100000
C = 1000
TEMP = 0.05


def _l2norm(x):
    n = jnp.linalg.norm(x, axis=1, keepdims=True)
    return x / jnp.maximum(n, 1e-12)


def setup_inputs(seed: int = 0):
    key = jax.random.key(seed)
    k1, k2, k3, k4, k5, k6 = jax.random.split(key, 6)
    feat = jax.random.normal(k1, (B, D), dtype=jnp.float32)
    feat_gen = jax.random.normal(k2, (B, D), dtype=jnp.float32)
    feat_aug = jax.random.normal(k3, (B, D), dtype=jnp.float32)
    indexes = jax.random.randint(k4, (B,), 0, M, dtype=jnp.int32)
    features = _l2norm(jax.random.normal(k5, (M, D), dtype=jnp.float32))
    labels = jax.random.randint(k6, (M,), 0, C, dtype=jnp.int32)
    return {"feat": feat, "feat_gen": feat_gen, "feat_aug": feat_aug,
            "indexes": indexes, "features": features, "labels": labels}


def reference(feat, feat_gen, feat_aug, indexes, features, labels):
    ori_norm = _l2norm(feat)
    gen_norm = _l2norm(feat_gen)
    aug_norm = _l2norm(feat_aug)
    sim_ori = ori_norm @ ori_norm.T / TEMP
    sim_gen = ori_norm @ gen_norm.T / TEMP
    sim_aug = ori_norm @ aug_norm.T / TEMP
    # HM.apply forward: similarity of aug features against the memory bank
    inputs = aug_norm @ features.T
    inputs = inputs / TEMP
    targets = labels[indexes]
    # scatter-add rows of inputs.T ([M, B]) into cluster bins -> [C, B]
    sim = jax.ops.segment_sum(inputs.T, labels, num_segments=C)
    nums = jax.ops.segment_sum(jnp.ones((M, 1), jnp.float32), labels, num_segments=C)
    mask = (nums > 0).astype(jnp.float32)
    sim = sim / (mask * nums + (1.0 - mask))
    simT = sim.T
    maskT = jnp.broadcast_to(mask, sim.shape).T
    exps = jnp.exp(simT)
    masked_exps = exps * maskT
    masked_sums = masked_exps.sum(axis=1, keepdims=True) + 1e-06
    masked_sim = masked_exps / masked_sums
    spcl_loss = -jnp.mean(jnp.log(masked_sim[jnp.arange(B), targets] + 1e-06))
    exp_ori = jnp.exp(sim_ori)
    exp_gen = jnp.exp(sim_gen)
    exp_aug = jnp.exp(sim_aug)
    same = targets[None, :] == targets[:, None]
    diff = jnp.logical_not(same).astype(jnp.float32)
    # co_loss (vectorized form of the per-sample python loops)
    gsum = exp_gen.sum(axis=1)
    exp_sum_co = (diff * (exp_ori + exp_aug)).sum(axis=1)
    denom_co = (exp_sum_co + gsum + 1e-06)[:, None]
    term_o = -jnp.log(exp_ori / (exp_ori + denom_co) + 1e-06)
    term_a = -jnp.log(exp_aug / (exp_aug + denom_co) + 1e-06)
    co_loss = jnp.sum(jnp.where(same, term_o + term_a, 0.0)) / B
    # ad_loss
    exp_sum_ad = (diff * exp_gen).sum(axis=1)
    denom_ad = (exp_sum_ad + exp_aug.sum(axis=1) + exp_ori.sum(axis=1) + 1e-06)[:, None]
    term_g = -jnp.log(exp_gen / (exp_gen + denom_ad) + 1e-06)
    ad_loss = jnp.sum(jnp.where(same, term_g, 0.0)) / B
    return (spcl_loss, ad_loss, co_loss)

if __name__ == "__main__":
    import jax
    _d = setup_inputs()
    print(jax.jit(kernel)(*tuple(_d.values())))

</pallas_src>

<mosaic_0001>
#map = affine_map<(d0, d1) -> (0, 0)>
#map1 = affine_map<(d0, d1) -> (0)>
#map2 = affine_map<(d0, d1) -> (0, 0, 0)>
module attributes {stable_mosaic.version = 14 : i64} {
  func.func @_sc_segsum_body(%arg0: i32, %arg1: i32, %arg2: memref<100000x128xf32, #tpu.memory_space<hbm>>, %arg3: memref<100000xi32, #tpu.memory_space<hbm>>, %arg4: memref<128xi32, #tpu.memory_space<hbm>>, %arg5: memref<4x1024x128xf32, #tpu.memory_space<hbm>>, %arg6: memref<4x1024xf32, #tpu.memory_space<hbm>>, %arg7: memref<128xi32, #tpu.memory_space<hbm>>, %arg8: memref<2x2512x16xf32, #tpu.memory_space<vmem>>, %arg9: memref<25032xi32, #tpu.memory_space<vmem>>, %arg10: memref<1024x16xf32, #tpu.memory_space<vmem>>, %arg11: memref<1024xf32, #tpu.memory_space<vmem>>, %arg12: memref<128xi32, #tpu.memory_space<vmem>>, %arg13: memref<128xi32, #tpu.memory_space<vmem>>, %arg14: memref<!tpu.dma_semaphore, #tpu.memory_space<semaphore_mem>>, %arg15: memref<!tpu.dma_semaphore, #tpu.memory_space<semaphore_mem>>, %arg16: memref<!tpu.dma_semaphore, #tpu.memory_space<semaphore_mem>>, %arg17: memref<!tpu.dma_semaphore, #tpu.memory_space<semaphore_mem>>) attributes {dimension_semantics = [#tpu.dimension_semantics<core_parallel>, #tpu.dimension_semantics<subcore_parallel>], iteration_bounds = array<i64: 2, 16>, scalar_prefetch = 0 : i64, scratch_operands = 10 : i64, tpu.core_type = #tpu.core_type<sc_vector_subcore>, window_params = [{transform_indices = #map}, {transform_indices = #map1}, {transform_indices = #map1}, {transform_indices = #map2}, {transform_indices = #map}, {transform_indices = #map1}]} {
    %mul3A = arith.constant 2 : i32
    %mul3A_0 = arith.muli %arg1, %mul3A : i32
    %add3A = arith.addi %mul3A_0, %arg0 : i32
    %jit3A = arith.constant 8 : i32
    %div3A = arith.divsi %add3A, %jit3A : i32
    %sign3A = arith.constant 0 : i32
    %sign3A_1 = arith.cmpi sgt, %add3A, %sign3A : i32
    %sign3A_2 = arith.extui %sign3A_1 : i1 to i32
    %sign3A_3 = arith.constant 0 : i32
    %sign3A_4 = arith.cmpi slt, %add3A, %sign3A_3 : i32
    %sign3A_5 = arith.extui %sign3A_4 : i1 to i32
    %sign3A_6 = arith.subi %sign3A_2, %sign3A_5 : i32
    %sign3A_7 = arith.constant 0 : i32
    %sign3A_8 = arith.cmpi sgt, %jit3A, %sign3A_7 : i32
    %sign3A_9 = arith.extui %sign3A_8 : i1 to i32
    %sign3A_10 = arith.constant 0 : i32
    %sign3A_11 = arith.cmpi slt, %jit3A, %sign3A_10 : i32
    %sign3A_12 = arith.extui %sign3A_11 : i1 to i32
    %sign3A_13 = arith.subi %sign3A_9, %sign3A_12 : i32
    %ne3A = arith.cmpi ne, %sign3A_6, %sign3A_13 : i32
    %rem3A = arith.remsi %add3A, %jit3A : i32
    %ne3A_14 = arith.constant 0 : i32
    %ne3A_15 = arith.cmpi ne, %rem3A, %ne3A_14 : i32
    %and3A = arith.andi %ne3A, %ne3A_15 : i1
    %sub3A = arith.constant 1 : i32
    %sub3A_16 = arith.subi %div3A, %sub3A : i32
    %select_n3A = arith.select %and3A, %sub3A_16, %div3A : i32
    %rem3A_17 = arith.constant 8 : i32
    %rem3A_18 = arith.remsi %add3A, %rem3A_17 : i32
    %mul3A_19 = arith.constant 25000 : i32
    %mul3A_20 = arith.muli %select_n3A, %mul3A_19 : i32
    %mul3A_21 = arith.constant 16 : i32
    %mul3A_22 = arith.muli %rem3A_18, %mul3A_21 : i32
    %dma_start3A = arith.constant 0 : i32
    %dma_start3A_23 = tpu.memref_slice %arg9[%dma_start3A] : memref<25032xi32, #tpu.memory_space<vmem>> -> memref<25000xi32, #tpu.memory_space<vmem>>
    %dma_start3A_24 = tpu.memref_slice %arg3[%mul3A_20] : memref<100000xi32, #tpu.memory_space<hbm>> -> memref<25000xi32, #tpu.memory_space<hbm>>
    %dma_start3A_25 = arith.constant 0 : i32
    %dma_start3A_26 = tpu.memref_slice %arg9[%dma_start3A_25] : memref<25032xi32, #tpu.memory_space<vmem>> -> memref<25000xi32, #tpu.memory_space<vmem>>
    %dma_start3A_27 = tpu.memref_slice %arg3[%mul3A_20] : memref<100000xi32, #tpu.memory_space<hbm>> -> memref<25000xi32, #tpu.memory_space<hbm>>
    tpu.enqueue_dma source(%dma_start3A_27 : memref<25000xi32, #tpu.memory_space<hbm>>) target(%dma_start3A_26 : memref<25000xi32, #tpu.memory_space<vmem>>) target_semaphore(%arg14 : memref<!tpu.dma_semaphore, #tpu.memory_space<semaphore_mem>>)
    %add3A_28 = arith.constant 0 : i32
    %add3A_29 = arith.addi %mul3A_20, %add3A_28 : i32
    %dma_start3A_30 = arith.constant 0 : i32
    %dma_start3A_31 = arith.constant 0 : i32
    %dma_start3A_32 = arith.constant 0 : i32
    %dma_start3A_33 = tpu.memref_slice %arg8[%dma_start3A_30, %dma_start3A_31, %dma_start3A_32] : memref<2x2512x16xf32, #tpu.memory_space<vmem>> -> memref<1x2500x16xf32, #tpu.memory_space<vmem>>
    %dma_start3A_34 = tpu.memref_squeeze %dma_start3A_33 : memref<1x2500x16xf32, #tpu.memory_space<vmem>> -> memref<2500x16xf32, #tpu.memory_space<vmem>>
    %dma_start3A_35 = tpu.memref_slice %arg2[%add3A_29, %mul3A_22] : memref<100000x128xf32, #tpu.memory_space<hbm>> -> memref<2500x16xf32, #tpu.memory_space<hbm>>
    %dma_start3A_36 = arith.constant 0 : i32
    %dma_start3A_37 = arith.constant 0 : i32
    %dma_start3A_38 = tpu.memref_slice %arg8[%dma_start3A_30, %dma_start3A_36, %dma_start3A_37] : memref<2x2512x16xf32, #tpu.memory_space<vmem>> -> memref<1x2500x16xf32, #tpu.memory_space<vmem>>
    %dma_start3A_39 = tpu.memref_squeeze %dma_start3A_38 : memref<1x2500x16xf32, #tpu.memory_space<vmem>> -> memref<2500x16xf32, #tpu.memory_space<vmem>>
    %dma_start3A_40 = tpu.memref_slice %arg2[%add3A_29, %mul3A_22] : memref<100000x128xf32, #tpu.memory_space<hbm>> -> memref<2500x16xf32, #tpu.memory_space<hbm>>
    tpu.enqueue_dma source(%dma_start3A_40 : memref<2500x16xf32, #tpu.memory_space<hbm>>) target(%dma_start3A_39 : memref<2500x16xf32, #tpu.memory_space<vmem>>) target_semaphore(%arg15 : memref<!tpu.dma_semaphore, #tpu.memory_space<semaphore_mem>>)
    %add3A_41 = arith.constant 2500 : i32
    %add3A_42 = arith.addi %mul3A_20, %add3A_41 : i32
    %dma_start3A_43 = arith.constant 1 : i32
    %dma_start3A_44 = arith.constant 0 : i32
    %dma_start3A_45 = arith.constant 0 : i32
    %dma_start3A_46 = tpu.memref_slice %arg8[%dma_start3A_43, %dma_start3A_44, %dma_start3A_45] : memref<2x2512x16xf32, #tpu.memory_space<vmem>> -> memref<1x2500x16xf32, #tpu.memory_space<vmem>>
    %dma_start3A_47 = tpu.memref_squeeze %dma_start3A_46 : memref<1x2500x16xf32, #tpu.memory_space<vmem>> -> memref<2500x16xf32, #tpu.memory_space<vmem>>
    %dma_start3A_48 = tpu.memref_slice %arg2[%add3A_42, %mul3A_22] : memref<100000x128xf32, #tpu.memory_space<hbm>> -> memref<2500x16xf32, #tpu.memory_space<hbm>>
    %dma_start3A_49 = arith.constant 0 : i32
    %dma_start3A_50 = arith.constant 0 : i32
    %dma_start3A_51 = tpu.memref_slice %arg8[%dma_start3A_43, %dma_start3A_49, %dma_start3A_50] : memref<2x2512x16xf32, #tpu.memory_space<vmem>> -> memref<1x2500x16xf32, #tpu.memory_space<vmem>>
    %dma_start3A_52 = tpu.memref_squeeze %dma_start3A_51 : memref<1x2500x16xf32, #tpu.memory_space<vmem>> -> memref<2500x16xf32, #tpu.memory_space<vmem>>
    %dma_start3A_53 = tpu.memref_slice %arg2[%add3A_42, %mul3A_22] : memref<100000x128xf32, #tpu.memory_space<hbm>> -> memref<2500x16xf32, #tpu.memory_space<hbm>>
    tpu.enqueue_dma source(%dma_start3A_53 : memref<2500x16xf32, #tpu.memory_space<hbm>>) target(%dma_start3A_52 : memref<2500x16xf32, #tpu.memory_space<vmem>>) target_semaphore(%arg16 : memref<!tpu.dma_semaphore, #tpu.memory_space<semaphore_mem>>)
    %eq3A = arith.constant 1 : i32
    %eq3A_54 = arith.cmpi eq, %add3A, %eq3A : i32
    %convert_element_type3A = arith.extui %eq3A_54 : i1 to i32
    %cond3A = arith.constant 0 : i32
    %cond3A_55 = arith.cmpi ne, %convert_element_type3A, %cond3A : i32
    scf.if %cond3A_55 {
      "tpu.region"() ({
        %run_scoped3A = tpu.sem_alloc : memref<!tpu.dma_semaphore, #tpu.memory_space<semaphore_mem>>
        tpu.enqueue_dma source(%arg4 : memref<128xi32, #tpu.memory_space<hbm>>) target(%arg12 : memref<128xi32, #tpu.memory_space<vmem>>) target_semaphore(%run_scoped3A : memref<!tpu.dma_semaphore, #tpu.memory_space<semaphore_mem>>)
        tpu.wait_dma2 semaphore(%run_scoped3A : memref<!tpu.dma_semaphore, #tpu.memory_space<semaphore_mem>>) src(%arg4 : memref<128xi32, #tpu.memory_space<hbm>>) dst(%arg12 : memref<128xi32, #tpu.memory_space<vmem>>)
        tpu.yield
      }) : () -> ()
      %dma_start3A_184 = arith.constant 0 : i32
      %dma_start3A_185 = tpu.memref_slice %arg3[%dma_start3A_184] : memref<100000xi32, #tpu.memory_space<hbm>> -> memref<100000xi32, #tpu.memory_space<hbm>>
      tpu.enqueue_indirect_dma source(%dma_start3A_185 : memref<100000xi32, #tpu.memory_space<hbm>>) target(%arg13 : memref<128xi32, #tpu.memory_space<vmem>>) offsets(%arg12 : memref<128xi32, #tpu.memory_space<vmem>>) semaphore(%arg17 : memref<!tpu.dma_semaphore, #tpu.memory_space<semaphore_mem>>)
      %dma_wait3A_186 = arith.constant 0 : i32
      %dma_wait3A_187 = tpu.memref_slice %arg3[%dma_wait3A_186] : memref<100000xi32, #tpu.memory_space<hbm>> -> memref<100000xi32, #tpu.memory_space<hbm>>
      tpu.wait_indirect_dma semaphore(%arg17 : memref<!tpu.dma_semaphore, #tpu.memory_space<semaphore_mem>>) src(%dma_wait3A_187 : memref<100000xi32, #tpu.memory_space<hbm>>) dst(%arg13 : memref<128xi32, #tpu.memory_space<vmem>>)
      "tpu.region"() ({
        %run_scoped3A = tpu.sem_alloc : memref<!tpu.dma_semaphore, #tpu.memory_space<semaphore_mem>>
        tpu.enqueue_dma source(%arg13 : memref<128xi32, #tpu.memory_space<vmem>>) target(%arg7 : memref<128xi32, #tpu.memory_space<hbm>>) target_semaphore(%run_scoped3A : memref<!tpu.dma_semaphore, #tpu.memory_space<semaphore_mem>>)
        tpu.wait_dma2 semaphore(%run_scoped3A : memref<!tpu.dma_semaphore, #tpu.memory_space<semaphore_mem>>) src(%arg13 : memref<128xi32, #tpu.memory_space<vmem>>) dst(%arg7 : memref<128xi32, #tpu.memory_space<hbm>>)
        tpu.yield
      }) : () -> ()
    } else {
    }
    %broadcast_in_dim3A = arith.constant 0.000000e+00 : f32
    %broadcast_in_dim3A_56 = vector.broadcast %broadcast_in_dim3A : f32 to vector<16xf32>
    %scan3A = arith.constant 0 : i32
    %scan3A_57 = arith.constant 0 : i32
    %scan3A_58 = arith.constant 1024 : i32
    %scan3A_59 = arith.addi %scan3A_57, %scan3A_58 : i32
    %scan3A_60 = arith.constant 1 : i32
    scf.for %scan3A_184 = %scan3A_57 to %scan3A_59 step %scan3A_60  : i32 {
      %swap3A = arith.index_cast %scan3A_184 : i32 to index
      %swap3A_185 = arith.constant 0 : index
      %swap3A_186 = tpu.vector_load %arg10[%swap3A, %swap3A_185] {strides = array<i32>} : memref<1024x16xf32, #tpu.memory_space<vmem>>, vector<16xf32>,
      tpu.vector_store %arg10[%swap3A, %swap3A_185], %broadcast_in_dim3A_56 {strides = array<i32>} : memref<1024x16xf32, #tpu.memory_space<vmem>>, vector<16xf32>,
    }
    %scan3A_61 = arith.constant 1024 : i32
    %scan3A_62 = arith.constant 0 : i32
    %scan3A_63 = arith.constant 0 : i32
    %scan3A_64 = arith.constant 64 : i32
    %scan3A_65 = arith.addi %scan3A_63, %scan3A_64 : i32
    %scan3A_66 = arith.constant 1 : i32
    scf.for %scan3A_184 = %scan3A_63 to %scan3A_65 step %scan3A_66  : i32 {
      %mul3A_185 = arith.constant 16 : i32
      %mul3A_186 = arith.muli %scan3A_184, %mul3A_185 : i32
      %swap3A = arith.index_cast %mul3A_186 : i32 to index
      %swap3A_187 = tpu.vector_load %arg11[%swap3A] {strides = array<i32>} : memref<1024xf32, #tpu.memory_space<vmem>>, vector<16xf32>,
      tpu.vector_store %arg11[%swap3A], %broadcast_in_dim3A_56 {strides = array<i32>} : memref<1024xf32, #tpu.memory_space<vmem>>, vector<16xf32>,
    }
    %scan3A_67 = arith.constant 64 : i32
    %dma_wait3A = arith.constant 0 : i32
    %dma_wait3A_68 = tpu.memref_slice %arg9[%dma_wait3A] : memref<25032xi32, #tpu.memory_space<vmem>> -> memref<25000xi32, #tpu.memory_space<vmem>>
    %dma_wait3A_69 = tpu.memref_slice %arg3[%mul3A_20] : memref<100000xi32, #tpu.memory_space<hbm>> -> memref<25000xi32, #tpu.memory_space<hbm>>
    %dma_wait3A_70 = arith.constant 0 : i32
    %dma_wait3A_71 = tpu.memref_slice %arg9[%dma_wait3A_70] : memref<25032xi32, #tpu.memory_space<vmem>> -> memref<25000xi32, #tpu.memory_space<vmem>>
    %dma_wait3A_72 = tpu.memref_slice %arg3[%mul3A_20] : memref<100000xi32, #tpu.memory_space<hbm>> -> memref<25000xi32, #tpu.memory_space<hbm>>
    tpu.wait_dma2 semaphore(%arg14 : memref<!tpu.dma_semaphore, #tpu.memory_space<semaphore_mem>>) src(%dma_wait3A_72 : memref<25000xi32, #tpu.memory_space<hbm>>) dst(%dma_wait3A_71 : memref<25000xi32, #tpu.memory_space<vmem>>)
    %iota3A = tpu.iota {dimensions = array<i32: 0>} : vector<16xi32>
    %broadcast_in_dim3A_73 = arith.constant 1.000000e+00 : f32
    %broadcast_in_dim3A_74 = vector.broadcast %broadcast_in_dim3A_73 : f32 to vector<16xf32>
    %lt3A = arith.constant 4 : i32
    %lt3A_75 = vector.broadcast %lt3A : i32 to vector<16xi32>
    %lt3A_76 = arith.cmpi slt, %iota3A, %lt3A_75 : vector<16xi32>
    %add3A_77 = arith.constant 0 : i32
    %add3A_78 = vector.broadcast %add3A_77 : i32 to vector<16xi32>
    %add3A_79 = arith.addi %iota3A, %add3A_78 : vector<16xi32>
    %and3A_80 = arith.constant 15 : i32
    %and3A_81 = vector.broadcast %and3A_80 : i32 to vector<16xi32>
    %and3A_82 = arith.andi %add3A_79, %and3A_81 : vector<16xi32>
    %add3A_83 = arith.constant 1 : i32
    %add3A_84 = vector.broadcast %add3A_83 : i32 to vector<16xi32>
    %add3A_85 = arith.addi %iota3A, %add3A_84 : vector<16xi32>
    %and3A_86 = arith.constant 15 : i32
    %and3A_87 = vector.broadcast %and3A_86 : i32 to vector<16xi32>
    %and3A_88 = arith.andi %add3A_85, %and3A_87 : vector<16xi32>
    %add3A_89 = arith.constant 2 : i32
    %add3A_90 = vector.broadcast %add3A_89 : i32 to vector<16xi32>
    %add3A_91 = arith.addi %iota3A, %add3A_90 : vector<16xi32>
    %and3A_92 = arith.constant 15 : i32
    %and3A_93 = vector.broadcast %and3A_92 : i32 to vector<16xi32>
    %and3A_94 = arith.andi %add3A_91, %and3A_93 : vector<16xi32>
    %add3A_95 = arith.constant 3 : i32
    %add3A_96 = vector.broadcast %add3A_95 : i32 to vector<16xi32>
    %add3A_97 = arith.addi %iota3A, %add3A_96 : vector<16xi32>
    %and3A_98 = arith.constant 15 : i32
    %and3A_99 = vector.broadcast %and3A_98 : i32 to vector<16xi32>
    %and3A_100 = arith.andi %add3A_97, %and3A_99 : vector<16xi32>
    %add3A_101 = arith.constant 4 : i32
    %add3A_102 = vector.broadcast %add3A_101 : i32 to vector<16xi32>
    %add3A_103 = arith.addi %iota3A, %add3A_102 : vector<16xi32>
    %and3A_104 = arith.constant 15 : i32
    %and3A_105 = vector.broadcast %and3A_104 : i32 to vector<16xi32>
    %and3A_106 = arith.andi %add3A_103, %and3A_105 : vector<16xi32>
    %add3A_107 = arith.constant 5 : i32
    %add3A_108 = vector.broadcast %add3A_107 : i32 to vector<16xi32>
    %add3A_109 = arith.addi %iota3A, %add3A_108 : vector<16xi32>
    %and3A_110 = arith.constant 15 : i32
    %and3A_111 = vector.broadcast %and3A_110 : i32 to vector<16xi32>
    %and3A_112 = arith.andi %add3A_109, %and3A_111 : vector<16xi32>
    %add3A_113 = arith.constant 6 : i32
    %add3A_114 = vector.broadcast %add3A_113 : i32 to vector<16xi32>
    %add3A_115 = arith.addi %iota3A, %add3A_114 : vector<16xi32>
    %and3A_116 = arith.constant 15 : i32
    %and3A_117 = vector.broadcast %and3A_116 : i32 to vector<16xi32>
    %and3A_118 = arith.andi %add3A_115, %and3A_117 : vector<16xi32>
    %add3A_119 = arith.constant 7 : i32
    %add3A_120 = vector.broadcast %add3A_119 : i32 to vector<16xi32>
    %add3A_121 = arith.addi %iota3A, %add3A_120 : vector<16xi32>
    %and3A_122 = arith.constant 15 : i32
    %and3A_123 = vector.broadcast %and3A_122 : i32 to vector<16xi32>
    %and3A_124 = arith.andi %add3A_121, %and3A_123 : vector<16xi32>
    %add3A_125 = arith.constant 8 : i32
    %add3A_126 = vector.broadcast %add3A_125 : i32 to vector<16xi32>
    %add3A_127 = arith.addi %iota3A, %add3A_126 : vector<16xi32>
    %and3A_128 = arith.constant 15 : i32
    %and3A_129 = vector.broadcast %and3A_128 : i32 to vector<16xi32>
    %and3A_130 = arith.andi %add3A_127, %and3A_129 : vector<16xi32>
    %add3A_131 = arith.constant 9 : i32
    %add3A_132 = vector.broadcast %add3A_131 : i32 to vector<16xi32>
    %add3A_133 = arith.addi %iota3A, %add3A_132 : vector<16xi32>
    %and3A_134 = arith.constant 15 : i32
    %and3A_135 = vector.broadcast %and3A_134 : i32 to vector<16xi32>
    %and3A_136 = arith.andi %add3A_133, %and3A_135 : vector<16xi32>
    %add3A_137 = arith.constant 10 : i32
    %add3A_138 = vector.broadcast %add3A_137 : i32 to vector<16xi32>
    %add3A_139 = arith.addi %iota3A, %add3A_138 : vector<16xi32>
    %and3A_140 = arith.constant 15 : i32
    %and3A_141 = vector.broadcast %and3A_140 : i32 to vector<16xi32>
    %and3A_142 = arith.andi %add3A_139, %and3A_141 : vector<16xi32>
    %add3A_143 = arith.constant 11 : i32
    %add3A_144 = vector.broadcast %add3A_143 : i32 to vector<16xi32>
    %add3A_145 = arith.addi %iota3A, %add3A_144 : vector<16xi32>
    %and3A_146 = arith.constant 15 : i32
    %and3A_147 = vector.broadcast %and3A_146 : i32 to vector<16xi32>
    %and3A_148 = arith.andi %add3A_145, %and3A_147 : vector<16xi32>
    %add3A_149 = arith.constant 12 : i32
    %add3A_150 = vector.broadcast %add3A_149 : i32 to vector<16xi32>
    %add3A_151 = arith.addi %iota3A, %add3A_150 : vector<16xi32>
    %and3A_152 = arith.constant 15 : i32
    %and3A_153 = vector.broadcast %and3A_152 : i32 to vector<16xi32>
    %and3A_154 = arith.andi %add3A_151, %and3A_153 : vector<16xi32>
    %add3A_155 = arith.constant 13 : i32
    %add3A_156 = vector.broadcast %add3A_155 : i32 to vector<16xi32>
    %add3A_157 = arith.addi %iota3A, %add3A_156 : vector<16xi32>
    %and3A_158 = arith.constant 15 : i32
    %and3A_159 = vector.broadcast %and3A_158 : i32 to vector<16xi32>
    %and3A_160 = arith.andi %add3A_157, %and3A_159 : vector<16xi32>
    %add3A_161 = arith.constant 14 : i32
    %add3A_162 = vector.broadcast %add3A_161 : i32 to vector<16xi32>
    %add3A_163 = arith.addi %iota3A, %add3A_162 : vector<16xi32>
    %and3A_164 = arith.constant 15 : i32
    %and3A_165 = vector.broadcast %and3A_164 : i32 to vector<16xi32>
    %and3A_166 = arith.andi %add3A_163, %and3A_165 : vector<16xi32>
    %add3A_167 = arith.constant 15 : i32
    %add3A_168 = vector.broadcast %add3A_167 : i32 to vector<16xi32>
    %add3A_169 = arith.addi %iota3A, %add3A_168 : vector<16xi32>
    %and3A_170 = arith.constant 15 : i32
    %and3A_171 = vector.broadcast %and3A_170 : i32 to vector<16xi32>
    %and3A_172 = arith.andi %add3A_169, %and3A_171 : vector<16xi32>
    %scan3A_173 = arith.constant 0 : i32
    %scan3A_174 = arith.constant 0 : i32
    %scan3A_175 = arith.constant 5 : i32
    %scan3A_176 = arith.addi %scan3A_174, %scan3A_175 : i32
    %scan3A_177 = arith.constant 1 : i32
    scf.for %scan3A_184 = %scan3A_174 to %scan3A_176 step %scan3A_177  : i32 {
      %mul3A_185 = arith.constant 2 : i32
      %mul3A_186 = arith.muli %mul3A_185, %scan3A_184 : i32
      %add3A_187 = arith.constant 0 : i32
      %add3A_188 = arith.addi %mul3A_186, %add3A_187 : i32
      %mul3A_189 = arith.constant 2500 : i32
      %mul3A_190 = arith.muli %add3A_188, %mul3A_189 : i32
      %add3A_191 = arith.addi %mul3A_20, %mul3A_190 : i32
      %dma_wait3A_192 = arith.constant 0 : i32
      %dma_wait3A_193 = arith.constant 0 : i32
      %dma_wait3A_194 = arith.constant 0 : i32
      %dma_wait3A_195 = tpu.memref_slice %arg8[%dma_wait3A_192, %dma_wait3A_193, %dma_wait3A_194] : memref<2x2512x16xf32, #tpu.memory_space<vmem>> -> memref<1x2500x16xf32, #tpu.memory_space<vmem>>
      %dma_wait3A_196 = tpu.memref_squeeze %dma_wait3A_195 : memref<1x2500x16xf32, #tpu.memory_space<vmem>> -> memref<2500x16xf32, #tpu.memory_space<vmem>>
      %dma_wait3A_197 = tpu.memref_slice %arg2[%add3A_191, %mul3A_22] : memref<100000x128xf32, #tpu.memory_space<hbm>> -> memref<2500x16xf32, #tpu.memory_space<hbm>>
      %dma_wait3A_198 = arith.constant 0 : i32
      %dma_wait3A_199 = arith.constant 0 : i32
      %dma_wait3A_200 = tpu.memref_slice %arg8[%dma_wait3A_192, %dma_wait3A_198, %dma_wait3A_199] : memref<2x2512x16xf32, #tpu.memory_space<vmem>> -> memref<1x2500x16xf32, #tpu.memory_space<vmem>>
      %dma_wait3A_201 = tpu.memref_squeeze %dma_wait3A_200 : memref<1x2500x16xf32, #tpu.memory_space<vmem>> -> memref<2500x16xf32, #tpu.memory_space<vmem>>
      %dma_wait3A_202 = tpu.memref_slice %arg2[%add3A_191, %mul3A_22] : memref<100000x128xf32, #tpu.memory_space<hbm>> -> memref<2500x16xf32, #tpu.memory_space<hbm>>
      tpu.wait_dma2 semaphore(%arg15 : memref<!tpu.dma_semaphore, #tpu.memory_space<semaphore_mem>>) src(%dma_wait3A_202 : memref<2500x16xf32, #tpu.memory_space<hbm>>) dst(%dma_wait3A_201 : memref<2500x16xf32, #tpu.memory_space<vmem>>)
      %mul3A_203 = arith.constant 2500 : i32
      %mul3A_204 = arith.muli %add3A_188, %mul3A_203 : i32
      %parallel_loop3A = arith.constant 0 : i32
      %parallel_loop3A_205 = arith.constant 2496 : i32
      %parallel_loop3A_206 = arith.constant 16 : i32
      %parallel_loop3A_207 = arith.constant 0 : i32
      scf.for %parallel_loop3A_654 = %parallel_loop3A to %parallel_loop3A_205 step %parallel_loop3A_206  : i32 {
        %parallel_loop3A_655 = vector.broadcast %parallel_loop3A_654 : i32 to vector<16xi32>
        %parallel_loop3A_656 = arith.addi %parallel_loop3A_655, %iota3A : vector<16xi32>
        %parallel_loop3A_657 = arith.addi %mul3A_204, %parallel_loop3A_654 : i32
        %parallel_loop3A_658 = arith.index_cast %parallel_loop3A_657 : i32 to index
        %parallel_loop3A_659 = tpu.vector_load %arg9[%parallel_loop3A_658] {strides = array<i32>} : memref<25032xi32, #tpu.memory_space<vmem>>, vector<16xi32>,
        %parallel_loop3A_660 = arith.addi %mul3A_204, %parallel_loop3A_654 : i32
        %parallel_loop3A_661 = arith.constant 0 : i32
        %parallel_loop3A_662 = arith.constant 0 : i32
        %parallel_loop3A_663 = tpu.memref_slice %arg8[%parallel_loop3A_207, %parallel_loop3A_661, %parallel_loop3A_662] : memref<2x2512x16xf32, #tpu.memory_space<vmem>> -> memref<1x2512x16xf32, #tpu.memory_space<vmem>>
        %parallel_loop3A_664 = tpu.memref_squeeze %parallel_loop3A_663 : memref<1x2512x16xf32, #tpu.memory_space<vmem>> -> memref<2512x16xf32, #tpu.memory_space<vmem>>
        %parallel_loop3A_665 = tpu.vector_load_idx %parallel_loop3A_664[%parallel_loop3A_656, %and3A_82] : memref<2512x16xf32, #tpu.memory_space<vmem>>[vector<16xi32>, vector<16xi32>], vector<16xf32>,
        %parallel_loop3A_666 = arith.constant 0 : i32
        %parallel_loop3A_667 = arith.constant 0 : i32
        %parallel_loop3A_668 = tpu.memref_slice %arg8[%parallel_loop3A_207, %parallel_loop3A_666, %parallel_loop3A_667] : memref<2x2512x16xf32, #tpu.memory_space<vmem>> -> memref<1x2512x16xf32, #tpu.memory_space<vmem>>
        %parallel_loop3A_669 = tpu.memref_squeeze %parallel_loop3A_668 : memref<1x2512x16xf32, #tpu.memory_space<vmem>> -> memref<2512x16xf32, #tpu.memory_space<vmem>>
        %parallel_loop3A_670 = tpu.vector_load_idx %parallel_loop3A_669[%parallel_loop3A_656, %and3A_88] : memref<2512x16xf32, #tpu.memory_space<vmem>>[vector<16xi32>, vector<16xi32>], vector<16xf32>,
        %parallel_loop3A_671 = arith.constant 0 : i32
        %parallel_loop3A_672 = arith.constant 0 : i32
        %parallel_loop3A_673 = tpu.memref_slice %arg8[%parallel_loop3A_207, %parallel_loop3A_671, %parallel_loop3A_672] : memref<2x2512x16xf32, #tpu.memory_space<vmem>> -> memref<1x2512x16xf32, #tpu.memory_space<vmem>>
        %parallel_loop3A_674 = tpu.memref_squeeze %parallel_loop3A_673 : memref<1x2512x16xf32, #tpu.memory_space<vmem>> -> memref<2512x16xf32, #tpu.memory_space<vmem>>
        %parallel_loop3A_675 = tpu.vector_load_idx %parallel_loop3A_674[%parallel_loop3A_656, %and3A_94] : memref<2512x16xf32, #tpu.memory_space<vmem>>[vector<16xi32>, vector<16xi32>], vector<16xf32>,
        %parallel_loop3A_676 = arith.constant 0 : i32
        %parallel_loop3A_677 = arith.constant 0 : i32
        %parallel_loop3A_678 = tpu.memref_slice %arg8[%parallel_loop3A_207, %parallel_loop3A_676, %parallel_loop3A_677] : memref<2x2512x16xf32, #tpu.memory_space<vmem>> -> memref<1x2512x16xf32, #tpu.memory_space<vmem>>
        %parallel_loop3A_679 = tpu.memref_squeeze %parallel_loop3A_678 : memref<1x2512x16xf32, #tpu.memory_space<vmem>> -> memref<2512x16xf32, #tpu.memory_space<vmem>>
        %parallel_loop3A_680 = tpu.vector_load_idx %parallel_loop3A_679[%parallel_loop3A_656, %and3A_100] : memref<2512x16xf32, #tpu.memory_space<vmem>>[vector<16xi32>, vector<16xi32>], vector<16xf32>,
        %parallel_loop3A_681 = arith.constant 0 : i32
        %parallel_loop3A_682 = arith.constant 0 : i32
        %parallel_loop3A_683 = tpu.memref_slice %arg8[%parallel_loop3A_207, %parallel_loop3A_681, %parallel_loop3A_682] : memref<2x2512x16xf32, #tpu.memory_space<vmem>> -> memref<1x2512x16xf32, #tpu.memory_space<vmem>>
        %parallel_loop3A_684 = tpu.memref_squeeze %parallel_loop3A_683 : memref<1x2512x16xf32, #tpu.memory_space<vmem>> -> memref<2512x16xf32, #tpu.memory_space<vmem>>
        %parallel_loop3A_685 = tpu.vector_load_idx %parallel_loop3A_684[%parallel_loop3A_656, %and3A_106] : memref<2512x16xf32, #tpu.memory_space<vmem>>[vector<16xi32>, vector<16xi32>], vector<16xf32>,
        %parallel_loop3A_686 = arith.constant 0 : i32
        %parallel_loop3A_687 = arith.constant 0 : i32
        %parallel_loop3A_688 = tpu.memref_slice %arg8[%parallel_loop3A_207, %parallel_loop3A_686, %parallel_loop3A_687] : memref<2x2512x16xf32, #tpu.memory_space<vmem>> -> memref<1x2512x16xf32, #tpu.memory_space<vmem>>
        %parallel_loop3A_689 = tpu.memref_squeeze %parallel_loop3A_688 : memref<1x2512x16xf32, #tpu.memory_space<vmem>> -> memref<2512x16xf32, #tpu.memory_space<vmem>>
        %parallel_loop3A_690 = tpu.vector_load_idx %parallel_loop3A_689[%parallel_loop3A_656, %and3A_112] : memref<2512x16xf32, #tpu.memory_space<vmem>>[vector<16xi32>, vector<16xi32>], vector<16xf32>,
        %parallel_loop3A_691 = arith.constant 0 : i32
        %parallel_loop3A_692 = arith.constant 0 : i32
        %parallel_loop3A_693 = tpu.memref_slice %arg8[%parallel_loop3A_207, %parallel_loop3A_691, %parallel_loop3A_692] : memref<2x2512x16xf32, #tpu.memory_space<vmem>> -> memref<1x2512x16xf32, #tpu.memory_space<vmem>>
        %parallel_loop3A_694 = tpu.memref_squeeze %parallel_loop3A_693 : memref<1x2512x16xf32, #tpu.memory_space<vmem>> -> memref<2512x16xf32, #tpu.memory_space<vmem>>
        %parallel_loop3A_695 = tpu.vector_load_idx %parallel_loop3A_694[%parallel_loop3A_656, %and3A_118] : memref<2512x16xf32, #tpu.memory_space<vmem>>[vector<16xi32>, vector<16xi32>], vector<16xf32>,
        %parallel_loop3A_696 = arith.constant 0 : i32
        %parallel_loop3A_697 = arith.constant 0 : i32
        %parallel_loop3A_698 = tpu.memref_slice %arg8[%parallel_loop3A_207, %parallel_loop3A_696, %parallel_loop3A_697] : memref<2x2512x16xf32, #tpu.memory_space<vmem>> -> memref<1x2512x16xf32, #tpu.memory_space<vmem>>
        %parallel_loop3A_699 = tpu.memref_squeeze %parallel_loop3A_698 : memref<1x2512x16xf32, #tpu.memory_space<vmem>> -> memref<2512x16xf32, #tpu.memory_space<vmem>>
        %parallel_loop3A_700 = tpu.vector_load_idx %parallel_loop3A_699[%parallel_loop3A_656, %and3A_124] : memref<2512x16xf32, #tpu.memory_space<vmem>>[vector<16xi32>, vector<16xi32>], vector<16xf32>,
        %parallel_loop3A_701 = arith.constant 0 : i32
        %parallel_loop3A_702 = arith.constant 0 : i32
        %parallel_loop3A_703 = tpu.memref_slice %arg8[%parallel_loop3A_207, %parallel_loop3A_701, %parallel_loop3A_702] : memref<2x2512x16xf32, #tpu.memory_space<vmem>> -> memref<1x2512x16xf32, #tpu.memory_space<vmem>>
        %parallel_loop3A_704 = tpu.memref_squeeze %parallel_loop3A_703 : memref<1x2512x16xf32, #tpu.memory_space<vmem>> -> memref<2512x16xf32, #tpu.memory_space<vmem>>
        %parallel_loop3A_705 = tpu.vector_load_idx %parallel_loop3A_704[%parallel_loop3A_656, %and3A_130] : memref<2512x16xf32, #tpu.memory_space<vmem>>[vector<16xi32>, vector<16xi32>], vector<16xf32>,
        %parallel_loop3A_706 = arith.constant 0 : i32
        %parallel_loop3A_707 = arith.constant 0 : i32
        %parallel_loop3A_708 = tpu.memref_slice %arg8[%parallel_loop3A_207, %parallel_loop3A_706, %parallel_loop3A_707] : memref<2x2512x16xf32, #tpu.memory_space<vmem>> -> memref<1x2512x16xf32, #tpu.memory_space<vmem>>
        %parallel_loop3A_709 = tpu.memref_squeeze %parallel_loop3A_708 : memref<1x2512x16xf32, #tpu.memory_space<vmem>> -> memref<2512x16xf32, #tpu.memory_space<vmem>>
        %parallel_loop3A_710 = tpu.vector_load_idx %parallel_loop3A_709[%parallel_loop3A_656, %and3A_136] : memref<2512x16xf32, #tpu.memory_space<vmem>>[vector<16xi32>, vector<16xi32>], vector<16xf32>,
        %parallel_loop3A_711 = arith.constant 0 : i32
        %parallel_loop3A_712 = arith.constant 0 : i32
        %parallel_loop3A_713 = tpu.memref_slice %arg8[%parallel_loop3A_207, %parallel_loop3A_711, %parallel_loop3A_712] : memref<2x2512x16xf32, #tpu.memory_space<vmem>> -> memref<1x2512x16xf32, #tpu.memory_space<vmem>>
        %parallel_loop3A_714 = tpu.memref_squeeze %parallel_loop3A_713 : memref<1x2512x16xf32, #tpu.memory_space<vmem>> -> memref<2512x16xf32, #tpu.memory_space<vmem>>
        %parallel_loop3A_715 = tpu.vector_load_idx %parallel_loop3A_714[%parallel_loop3A_656, %and3A_142] : memref<2512x16xf32, #tpu.memory_space<vmem>>[vector<16xi32>, vector<16xi32>], vector<16xf32>,
        %parallel_loop3A_716 = arith.constant 0 : i32
        %parallel_loop3A_717 = arith.constant 0 : i32
        %parallel_loop3A_718 = tpu.memref_slice %arg8[%parallel_loop3A_207, %parallel_loop3A_716, %parallel_loop3A_717] : memref<2x2512x16xf32, #tpu.memory_space<vmem>> -> memref<1x2512x16xf32, #tpu.memory_space<vmem>>
        %parallel_loop3A_719 = tpu.memref_squeeze %parallel_loop3A_718 : memref<1x2512x16xf32, #tpu.memory_space<vmem>> -> memref<2512x16xf32, #tpu.memory_space<vmem>>
        %parallel_loop3A_720 = tpu.vector_load_idx %parallel_loop3A_719[%parallel_loop3A_656, %and3A_148] : memref<2512x16xf32, #tpu.memory_space<vmem>>[vector<16xi32>, vector<16xi32>], vector<16xf32>,
        %parallel_loop3A_721 = arith.constant 0 : i32
        %parallel_loop3A_722 = arith.constant 0 : i32
        %parallel_loop3A_723 = tpu.memref_slice %arg8[%parallel_loop3A_207, %parallel_loop3A_721, %parallel_loop3A_722] : memref<2x2512x16xf32, #tpu.memory_space<vmem>> -> memref<1x2512x16xf32, #tpu.memory_space<vmem>>
        %parallel_loop3A_724 = tpu.memref_squeeze %parallel_loop3A_723 : memref<1x2512x16xf32, #tpu.memory_space<vmem>> -> memref<2512x16xf32, #tpu.memory_space<vmem>>
        %parallel_loop3A_725 = tpu.vector_load_idx %parallel_loop3A_724[%parallel_loop3A_656, %and3A_154] : memref<2512x16xf32, #tpu.memory_space<vmem>>[vector<16xi32>, vector<16xi32>], vector<16xf32>,
        %parallel_loop3A_726 = arith.constant 0 : i32
        %parallel_loop3A_727 = arith.constant 0 : i32
        %parallel_loop3A_728 = tpu.memref_slice %arg8[%parallel_loop3A_207, %parallel_loop3A_726, %parallel_loop3A_727] : memref<2x2512x16xf32, #tpu.memory_space<vmem>> -> memref<1x2512x16xf32, #tpu.memory_space<vmem>>
        %parallel_loop3A_729 = tpu.memref_squeeze %parallel_loop3A_728 : memref<1x2512x16xf32, #tpu.memory_space<vmem>> -> memref<2512x16xf32, #tpu.memory_space<vmem>>
        %parallel_loop3A_730 = tpu.vector_load_idx %parallel_loop3A_729[%parallel_loop3A_656, %and3A_160] : memref<2512x16xf32, #tpu.memory_space<vmem>>[vector<16xi32>, vector<16xi32>], vector<16xf32>,
        %parallel_loop3A_731 = arith.constant 0 : i32
        %parallel_loop3A_732 = arith.constant 0 : i32
        %parallel_loop3A_733 = tpu.memref_slice %arg8[%parallel_loop3A_207, %parallel_loop3A_731, %parallel_loop3A_732] : memref<2x2512x16xf32, #tpu.memory_space<vmem>> -> memref<1x2512x16xf32, #tpu.memory_space<vmem>>
        %parallel_loop3A_734 = tpu.memref_squeeze %parallel_loop3A_733 : memref<1x2512x16xf32, #tpu.memory_space<vmem>> -> memref<2512x16xf32, #tpu.memory_space<vmem>>
        %parallel_loop3A_735 = tpu.vector_load_idx %parallel_loop3A_734[%parallel_loop3A_656, %and3A_166] : memref<2512x16xf32, #tpu.memory_space<vmem>>[vector<16xi32>, vector<16xi32>], vector<16xf32>,
        %parallel_loop3A_736 = arith.constant 0 : i32
        %parallel_loop3A_737 = arith.constant 0 : i32
        %parallel_loop3A_738 = tpu.memref_slice %arg8[%parallel_loop3A_207, %parallel_loop3A_736, %parallel_loop3A_737] : memref<2x2512x16xf32, #tpu.memory_space<vmem>> -> memref<1x2512x16xf32, #tpu.memory_space<vmem>>
        %parallel_loop3A_739 = tpu.memref_squeeze %parallel_loop3A_738 : memref<1x2512x16xf32, #tpu.memory_space<vmem>> -> memref<2512x16xf32, #tpu.memory_space<vmem>>
        %parallel_loop3A_740 = tpu.vector_load_idx %parallel_loop3A_739[%parallel_loop3A_656, %and3A_172] : memref<2512x16xf32, #tpu.memory_space<vmem>>[vector<16xi32>, vector<16xi32>], vector<16xf32>,
        tpu.vector_store_idx %arg10[%parallel_loop3A_659, %and3A_82], %parallel_loop3A_665 {add = true} : memref<1024x16xf32, #tpu.memory_space<vmem>>[vector<16xi32>, vector<16xi32>], vector<16xf32>,
        tpu.vector_store_idx %arg10[%parallel_loop3A_659, %and3A_88], %parallel_loop3A_670 {add = true} : memref<1024x16xf32, #tpu.memory_space<vmem>>[vector<16xi32>, vector<16xi32>], vector<16xf32>,
        tpu.vector_store_idx %arg10[%parallel_loop3A_659, %and3A_94], %parallel_loop3A_675 {add = true} : memref<1024x16xf32, #tpu.memory_space<vmem>>[vector<16xi32>, vector<16xi32>], vector<16xf32>,
        tpu.vector_store_idx %arg10[%parallel_loop3A_659, %and3A_100], %parallel_loop3A_680 {add = true} : memref<1024x16xf32, #tpu.memory_space<vmem>>[vector<16xi32>, vector<16xi32>], vector<16xf32>,
        tpu.vector_store_idx %arg10[%parallel_loop3A_659, %and3A_106], %parallel_loop3A_685 {add = true} : memref<1024x16xf32, #tpu.memory_space<vmem>>[vector<16xi32>, vector<16xi32>], vector<16xf32>,
        tpu.vector_store_idx %arg10[%parallel_loop3A_659, %and3A_112], %parallel_loop3A_690 {add = true} : memref<1024x16xf32, #tpu.memory_space<vmem>>[vector<16xi32>, vector<16xi32>], vector<16xf32>,
        tpu.vector_store_idx %arg10[%parallel_loop3A_659, %and3A_118], %parallel_loop3A_695 {add = true} : memref<1024x16xf32, #tpu.memory_space<vmem>>[vector<16xi32>, vector<16xi32>], vector<16xf32>,
        tpu.vector_store_idx %arg10[%parallel_loop3A_659, %and3A_124], %parallel_loop3A_700 {add = true} : memref<1024x16xf32, #tpu.memory_space<vmem>>[vector<16xi32>, vector<16xi32>], vector<16xf32>,
        tpu.vector_store_idx %arg10[%parallel_loop3A_659, %and3A_130], %parallel_loop3A_705 {add = true} : memref<1024x16xf32, #tpu.memory_space<vmem>>[vector<16xi32>, vector<16xi32>], vector<16xf32>,
        tpu.vector_store_idx %arg10[%parallel_loop3A_659, %and3A_136], %parallel_loop3A_710 {add = true} : memref<1024x16xf32, #tpu.memory_space<vmem>>[vector<16xi32>, vector<16xi32>], vector<16xf32>,
        tpu.vector_store_idx %arg10[%parallel_loop3A_659, %and3A_142], %parallel_loop3A_715 {add = true} : memref<1024x16xf32, #tpu.memory_space<vmem>>[vector<16xi32>, vector<16xi32>], vector<16xf32>,
        tpu.vector_store_idx %arg10[%parallel_loop3A_659, %and3A_148], %parallel_loop3A_720 {add = true} : memref<1024x16xf32, #tpu.memory_space<vmem>>[vector<16xi32>, vector<16xi32>], vector<16xf32>,
        tpu.vector_store_idx %arg10[%parallel_loop3A_659, %and3A_154], %parallel_loop3A_725 {add = true} : memref<1024x16xf32, #tpu.memory_space<vmem>>[vector<16xi32>, vector<16xi32>], vector<16xf32>,
        tpu.vector_store_idx %arg10[%parallel_loop3A_659, %and3A_160], %parallel_loop3A_730 {add = true} : memref<1024x16xf32, #tpu.memory_space<vmem>>[vector<16xi32>, vector<16xi32>], vector<16xf32>,
        tpu.vector_store_idx %arg10[%parallel_loop3A_659, %and3A_166], %parallel_loop3A_735 {add = true} : memref<1024x16xf32, #tpu.memory_space<vmem>>[vector<16xi32>, vector<16xi32>], vector<16xf32>,
        tpu.vector_store_idx %arg10[%parallel_loop3A_659, %and3A_172], %parallel_loop3A_740 {add = true} : memref<1024x16xf32, #tpu.memory_space<vmem>>[vector<16xi32>, vector<16xi32>], vector<16xf32>,
        %parallel_loop3A_741 = arith.constant 0 : i32
        %parallel_loop3A_742 = arith.cmpi eq, %rem3A_18, %parallel_loop3A_741 : i32
        %parallel_loop3A_743 = arith.extui %parallel_loop3A_742 : i1 to i32
        %parallel_loop3A_744 = arith.constant 0 : i32
        %parallel_loop3A_745 = arith.cmpi ne, %parallel_loop3A_743, %parallel_loop3A_744 : i32
        scf.if %parallel_loop3A_745 {
          tpu.vector_store_idx %arg11[%parallel_loop3A_659], %broadcast_in_dim3A_74 {add = true} : memref<1024xf32, #tpu.memory_space<vmem>>[vector<16xi32>], vector<16xf32>,
        } else {
        }
      } {sc.loop_unroll_factor = 2 : i64, sc.parallel_access}
      %add3A_208 = arith.constant 2496 : i32
      %add3A_209 = vector.broadcast %add3A_208 : i32 to vector<16xi32>
      %add3A_210 = arith.addi %add3A_209, %iota3A : vector<16xi32>
      %add3A_211 = arith.constant 2496 : i32
      %add3A_212 = arith.addi %mul3A_204, %add3A_211 : i32
      %get3A = arith.index_cast %add3A_212 : i32 to index
      %get3A_213 = tpu.vector_load %arg9[%get3A] {strides = array<i32>} : memref<25032xi32, #tpu.memory_space<vmem>>, vector<16xi32>,
      %jit3A_214 = arith.constant 0 : i32
      %broadcast_in_dim3A_215 = vector.broadcast %jit3A_214 : i32 to vector<16xi32>
      %select_n3A_216 = arith.select %lt3A_76, %get3A_213, %broadcast_in_dim3A_215 : vector<16xi1>, vector<16xi32>
      %add3A_217 = arith.constant 0 : i32
      %add3A_218 = vector.broadcast %add3A_217 : i32 to vector<16xi32>
      %add3A_219 = arith.addi %iota3A, %add3A_218 : vector<16xi32>
      %and3A_220 = arith.constant 15 : i32
      %and3A_221 = vector.broadcast %and3A_220 : i32 to vector<16xi32>
      %and3A_222 = arith.andi %add3A_219, %and3A_221 : vector<16xi32>
      %gather3A = arith.constant 0 : i32
      %gather3A_223 = arith.constant 0 : i32
      %gather3A_224 = arith.constant 0 : i32
      %gather3A_225 = tpu.memref_slice %arg8[%gather3A, %gather3A_223, %gather3A_224] : memref<2x2512x16xf32, #tpu.memory_space<vmem>> -> memref<1x2512x16xf32, #tpu.memory_space<vmem>>
      %gather3A_226 = tpu.memref_squeeze %gather3A_225 : memref<1x2512x16xf32, #tpu.memory_space<vmem>> -> memref<2512x16xf32, #tpu.memory_space<vmem>>
      %gather3A_227 = tpu.vector_load_idx %gather3A_226[%add3A_210, %and3A_222] masked %lt3A_76 : memref<2512x16xf32, #tpu.memory_space<vmem>>[vector<16xi32>, vector<16xi32>], vector<16xf32>, vector<16xi1>
      tpu.vector_store_idx %arg10[%select_n3A_216, %and3A_222], %gather3A_227 masked %lt3A_76 {add = true} : memref<1024x16xf32, #tpu.memory_space<vmem>>[vector<16xi32>, vector<16xi32>], vector<16xf32>, vector<16xi1>
      %add3A_228 = arith.constant 1 : i32
      %add3A_229 = vector.broadcast %add3A_228 : i32 to vector<16xi32>
      %add3A_230 = arith.addi %iota3A, %add3A_229 : vector<16xi32>
      %and3A_231 = arith.constant 15 : i32
      %and3A_232 = vector.broadcast %and3A_231 : i32 to vector<16xi32>
      %and3A_233 = arith.andi %add3A_230, %and3A_232 : vector<16xi32>
      %gather3A_234 = arith.constant 0 : i32
      %gather3A_235 = arith.constant 0 : i32
      %gather3A_236 = arith.constant 0 : i32
      %gather3A_237 = tpu.memref_slice %arg8[%gather3A_234, %gather3A_235, %gather3A_236] : memref<2x2512x16xf32, #tpu.memory_space<vmem>> -> memref<1x2512x16xf32, #tpu.memory_space<vmem>>
      %gather3A_238 = tpu.memref_squeeze %gather3A_237 : memref<1x2512x16xf32, #tpu.memory_space<vmem>> -> memref<2512x16xf32, #tpu.memory_space<vmem>>
      %gather3A_239 = tpu.vector_load_idx %gather3A_238[%add3A_210, %and3A_233] masked %lt3A_76 : memref<2512x16xf32, #tpu.memory_space<vmem>>[vector<16xi32>, vector<16xi32>], vector<16xf32>, vector<16xi1>
      tpu.vector_store_idx %arg10[%select_n3A_216, %and3A_233], %gather3A_239 masked %lt3A_76 {add = true} : memref<1024x16xf32, #tpu.memory_space<vmem>>[vector<16xi32>, vector<16xi32>], vector<16xf32>, vector<16xi1>
      %add3A_240 = arith.constant 2 : i32
      %add3A_241 = vector.broadcast %add3A_240 : i32 to vector<16xi32>
      %add3A_242 = arith.addi %iota3A, %add3A_241 : vector<16xi32>
      %and3A_243 = arith.constant 15 : i32
      %and3A_244 = vector.broadcast %and3A_243 : i32 to vector<16xi32>
      %and3A_245 = arith.andi %add3A_242, %and3A_244 : vector<16xi32>
      %gather3A_246 = arith.constant 0 : i32
      %gather3A_247 = arith.constant 0 : i32
      %gather3A_248 = arith.constant 0 : i32
      %gather3A_249 = tpu.memref_slice %arg8[%gather3A_246, %gather3A_247, %gather3A_248] : memref<2x2512x16xf32, #tpu.memory_space<vmem>> -> memref<1x2512x16xf32, #tpu.memory_space<vmem>>
      %gather3A_250 = tpu.memref_squeeze %gather3A_249 : memref<1x2512x16xf32, #tpu.memory_space<vmem>> -> memref<2512x16xf32, #tpu.memory_space<vmem>>
      %gather3A_251 = tpu.vector_load_idx %gather3A_250[%add3A_210, %and3A_245] masked %lt3A_76 : memref<2512x16xf32, #tpu.memory_space<vmem>>[vector<16xi32>, vector<16xi32>], vector<16xf32>, vector<16xi1>
      tpu.vector_store_idx %arg10[%select_n3A_216, %and3A_245], %gather3A_251 masked %lt3A_76 {add = true} : memref<1024x16xf32, #tpu.memory_space<vmem>>[vector<16xi32>, vector<16xi32>], vector<16xf32>, vector<16xi1>
      %add3A_252 = arith.constant 3 : i32
      %add3A_253 = vector.broadcast %add3A_252 : i32 to vector<16xi32>
      %add3A_254 = arith.addi %iota3A, %add3A_253 : vector<16xi32>
      %and3A_255 = arith.constant 15 : i32
      %and3A_256 = vector.broadcast %and3A_255 : i32 to vector<16xi32>
      %and3A_257 = arith.andi %add3A_254, %and3A_256 : vector<16xi32>
      %gather3A_258 = arith.constant 0 : i32
      %gather3A_259 = arith.constant 0 : i32
      %gather3A_260 = arith.constant 0 : i32
      %gather3A_261 = tpu.memref_slice %arg8[%gather3A_258, %gather3A_259, %gather3A_260] : memref<2x2512x16xf32, #tpu.memory_space<vmem>> -> memref<1x2512x16xf32, #tpu.memory_space<vmem>>
      %gather3A_262 = tpu.memref_squeeze %gather3A_261 : memref<1x2512x16xf32, #tpu.memory_space<vmem>> -> memref<2512x16xf32, #tpu.memory_space<vmem>>
      %gather3A_263 = tpu.vector_load_idx %gather3A_262[%add3A_210, %and3A_257] masked %lt3A_76 : memref<2512x16xf32, #tpu.memory_space<vmem>>[vector<16xi32>, vector<16xi32>], vector<16xf32>, vector<16xi1>
      tpu.vector_store_idx %arg10[%select_n3A_216, %and3A_257], %gather3A_263 masked %lt3A_76 {add = true} : memref<1024x16xf32, #tpu.memory_space<vmem>>[vector<16xi32>, vector<16xi32>], vector<16xf32>, vector<16xi1>
      %add3A_264 = arith.constant 4 : i32
      %add3A_265 = vector.broadcast %add3A_264 : i32 to vector<16xi32>
      %add3A_266 = arith.addi %iota3A, %add3A_265 : vector<16xi32>
      %and3A_267 = arith.constant 15 : i32
      %and3A_268 = vector.broadcast %and3A_267 : i32 to vector<16xi32>
      %and3A_269 = arith.andi %add3A_266, %and3A_268 : vector<16xi32>
      %gather3A_270 = arith.constant 0 : i32
      %gather3A_271 = arith.constant 0 : i32
      %gather3A_272 = arith.constant 0 : i32
      %gather3A_273 = tpu.memref_slice %arg8[%gather3A_270, %gather3A_271, %gather3A_272] : memref<2x2512x16xf32, #tpu.memory_space<vmem>> -> memref<1x2512x16xf32, #tpu.memory_space<vmem>>
      %gather3A_274 = tpu.memref_squeeze %gather3A_273 : memref<1x2512x16xf32, #tpu.memory_space<vmem>> -> memref<2512x16xf32, #tpu.memory_space<vmem>>
      %gather3A_275 = tpu.vector_load_idx %gather3A_274[%add3A_210, %and3A_269] masked %lt3A_76 : memref<2512x16xf32, #tpu.memory_space<vmem>>[vector<16xi32>, vector<16xi32>], vector<16xf32>, vector<16xi1>
      tpu.vector_store_idx %arg10[%select_n3A_216, %and3A_269], %gather3A_275 masked %lt3A_76 {add = true} : memref<1024x16xf32, #tpu.memory_space<vmem>>[vector<16xi32>, vector<16xi32>], vector<16xf32>, vector<16xi1>
      %add3A_276 = arith.constant 5 : i32
      %add3A_277 = vector.broadcast %add3A_276 : i32 to vector<16xi32>
      %add3A_278 = arith.addi %iota3A, %add3A_277 : vector<16xi32>
      %and3A_279 = arith.constant 15 : i32
      %and3A_280 = vector.broadcast %and3A_279 : i32 to vector<16xi32>
      %and3A_281 = arith.andi %add3A_278, %and3A_280 : vector<16xi32>
      %gather3A_282 = arith.constant 0 : i32
      %gather3A_283 = arith.constant 0 : i32
      %gather3A_284 = arith.constant 0 : i32
      %gather3A_285 = tpu.memref_slice %arg8[%gather3A_282, %gather3A_283, %gather3A_284] : memref<2x2512x16xf32, #tpu.memory_space<vmem>> -> memref<1x2512x16xf32, #tpu.memory_space<vmem>>
      %gather3A_286 = tpu.memref_squeeze %gather3A_285 : memref<1x2512x16xf32, #tpu.memory_space<vmem>> -> memref<2512x16xf32, #tpu.memory_space<vmem>>
      %gather3A_287 = tpu.vector_load_idx %gather3A_286[%add3A_210, %and3A_281] masked %lt3A_76 : memref<2512x16xf32, #tpu.memory_space<vmem>>[vector<16xi32>, vector<16xi32>], vector<16xf32>, vector<16xi1>
      tpu.vector_store_idx %arg10[%select_n3A_216, %and3A_281], %gather3A_287 masked %lt3A_76 {add = true} : memref<1024x16xf32, #tpu.memory_space<vmem>>[vector<16xi32>, vector<16xi32>], vector<16xf32>, vector<16xi1>
      %add3A_288 = arith.constant 6 : i32
      %add3A_289 = vector.broadcast %add3A_288 : i32 to vector<16xi32>
      %add3A_290 = arith.addi %iota3A, %add3A_289 : vector<16xi32>
      %and3A_291 = arith.constant 15 : i32
      %and3A_292 = vector.broadcast %and3A_291 : i32 to vector<16xi32>
      %and3A_293 = arith.andi %add3A_290, %and3A_292 : vector<16xi32>
      %gather3A_294 = arith.constant 0 : i32
      %gather3A_295 = arith.constant 0 : i32
      %gather3A_296 = arith.constant 0 : i32
      %gather3A_297 = tpu.memref_slice %arg8[%gather3A_294, %gather3A_295, %gather3A_296] : memref<2x2512x16xf32, #tpu.memory_space<vmem>> -> memref<1x2512x16xf32, #tpu.memory_space<vmem>>
      %gather3A_298 = tpu.memref_squeeze %gather3A_297 : memref<1x2512x16xf32, #tpu.memory_space<vmem>> -> memref<2512x16xf32, #tpu.memory_space<vmem>>
      %gather3A_299 = tpu.vector_load_idx %gather3A_298[%add3A_210, %and3A_293] masked %lt3A_76 : memref<2512x16xf32, #tpu.memory_space<vmem>>[vector<16xi32>, vector<16xi32>], vector<16xf32>, vector<16xi1>
      tpu.vector_store_idx %arg10[%select_n3A_216, %and3A_293], %gather3A_299 masked %lt3A_76 {add = true} : memref<1024x16xf32, #tpu.memory_space<vmem>>[vector<16xi32>, vector<16xi32>], vector<16xf32>, vector<16xi1>
      %add3A_300 = arith.constant 7 : i32
      %add3A_301 = vector.broadcast %add3A_300 : i32 to vector<16xi32>
      %add3A_302 = arith.addi %iota3A, %add3A_301 : vector<16xi32>
      %and3A_303 = arith.constant 15 : i32
      %and3A_304 = vector.broadcast %and3A_303 : i32 to vector<16xi32>
      %and3A_305 = arith.andi %add3A_302, %and3A_304 : vector<16xi32>
      %gather3A_306 = arith.constant 0 : i32
      %gather3A_307 = arith.constant 0 : i32
      %gather3A_308 = arith.constant 0 : i32
      %gather3A_309 = tpu.memref_slice %arg8[%gather3A_306, %gather3A_307, %gather3A_308] : memref<2x2512x16xf32, #tpu.memory_space<vmem>> -> memref<1x2512x16xf32, #tpu.memory_space<vmem>>
      %gather3A_310 = tpu.memref_squeeze %gather3A_309 : memref<1x2512x16xf32, #tpu.memory_space<vmem>> -> memref<2512x16xf32, #tpu.memory_space<vmem>>
      %gather3A_311 = tpu.vector_load_idx %gather3A_310[%add3A_210, %and3A_305] masked %lt3A_76 : memref<2512x16xf32, #tpu.memory_space<vmem>>[vector<16xi32>, vector<16xi32>], vector<16xf32>, vector<16xi1>
      tpu.vector_store_idx %arg10[%select_n3A_216, %and3A_305], %gather3A_311 masked %lt3A_76 {add = true} : memref<1024x16xf32, #tpu.memory_space<vmem>>[vector<16xi32>, vector<16xi32>], vector<16xf32>, vector<16xi1>
      %add3A_312 = arith.constant 8 : i32
      %add3A_313 = vector.broadcast %add3A_312 : i32 to vector<16xi32>
      %add3A_314 = arith.addi %iota3A, %add3A_313 : vector<16xi32>
      %and3A_315 = arith.constant 15 : i32
      %and3A_316 = vector.broadcast %and3A_315 : i32 to vector<16xi32>
      %and3A_317 = arith.andi %add3A_314, %and3A_316 : vector<16xi32>
      %gather3A_318 = arith.constant 0 : i32
      %gather3A_319 = arith.constant 0 : i32
      %gather3A_320 = arith.constant 0 : i32
      %gather3A_321 = tpu.memref_slice %arg8[%gather3A_318, %gather3A_319, %gather3A_320] : memref<2x2512x16xf32, #tpu.memory_space<vmem>> -> memref<1x2512x16xf32, #tpu.memory_space<vmem>>
      %gather3A_322 = tpu.memref_squeeze %gather3A_321 : memref<1x2512x16xf32, #tpu.memory_space<vmem>> -> memref<2512x16xf32, #tpu.memory_space<vmem>>
      %gather3A_323 = tpu.vector_load_idx %gather3A_322[%add3A_210, %and3A_317] masked %lt3A_76 : memref<2512x16xf32, #tpu.memory_space<vmem>>[vector<16xi32>, vector<16xi32>], vector<16xf32>, vector<16xi1>
      tpu.vector_store_idx %arg10[%select_n3A_216, %and3A_317], %gather3A_323 masked %lt3A_76 {add = true} : memref<1024x16xf32, #tpu.memory_space<vmem>>[vector<16xi32>, vector<16xi32>], vector<16xf32>, vector<16xi1>
      %add3A_324 = arith.constant 9 : i32
      %add3A_325 = vector.broadcast %add3A_324 : i32 to vector<16xi32>
      %add3A_326 = arith.addi %iota3A, %add3A_325 : vector<16xi32>
      %and3A_327 = arith.constant 15 : i32
      %and3A_328 = vector.broadcast %and3A_327 : i32 to vector<16xi32>
      %and3A_329 = arith.andi %add3A_326, %and3A_328 : vector<16xi32>
      %gather3A_330 = arith.constant 0 : i32
      %gather3A_331 = arith.constant 0 : i32
      %gather3A_332 = arith.constant 0 : i32
      %gather3A_333 = tpu.memref_slice %arg8[%gather3A_330, %gather3A_331, %gather3A_332] : memref<2x2512x16xf32, #tpu.memory_space<vmem>> -> memref<1x2512x16xf32, #tpu.memory_space<vmem>>
      %gather3A_334 = tpu.memref_squeeze %gather3A_333 : memref<1x2512x16xf32, #tpu.memory_space<vmem>> -> memref<2512x16xf32, #tpu.memory_space<vmem>>
      %gather3A_335 = tpu.vector_load_idx %gather3A_334[%add3A_210, %and3A_329] masked %lt3A_76 : memref<2512x16xf32, #tpu.memory_space<vmem>>[vector<16xi32>, vector<16xi32>], vector<16xf32>, vector<16xi1>
      tpu.vector_store_idx %arg10[%select_n3A_216, %and3A_329], %gather3A_335 masked %lt3A_76 {add = true} : memref<1024x16xf32, #tpu.memory_space<vmem>>[vector<16xi32>, vector<16xi32>], vector<16xf32>, vector<16xi1>
      %add3A_336 = arith.constant 10 : i32
      %add3A_337 = vector.broadcast %add3A_336 : i32 to vector<16xi32>
      %add3A_338 = arith.addi %iota3A, %add3A_337 : vector<16xi32>
      %and3A_339 = arith.constant 15 : i32
      %and3A_340 = vector.broadcast %and3A_339 : i32 to vector<16xi32>
      %and3A_341 = arith.andi %add3A_338, %and3A_340 : vector<16xi32>
      %gather3A_342 = arith.constant 0 : i32
      %gather3A_343 = arith.constant 0 : i32
      %gather3A_344 = arith.constant 0 : i32
      %gather3A_345 = tpu.memref_slice %arg8[%gather3A_342, %gather3A_343, %gather3A_344] : memref<2x2512x16xf32, #tpu.memory_space<vmem>> -> memref<1x2512x16xf32, #tpu.memory_space<vmem>>
      %gather3A_346 = tpu.memref_squeeze %gather3A_345 : memref<1x2512x16xf32, #tpu.memory_space<vmem>> -> memref<2512x16xf32, #tpu.memory_space<vmem>>
      %gather3A_347 = tpu.vector_load_idx %gather3A_346[%add3A_210, %and3A_341] masked %lt3A_76 : memref<2512x16xf32, #tpu.memory_space<vmem>>[vector<16xi32>, vector<16xi32>], vector<16xf32>, vector<16xi1>
      tpu.vector_store_idx %arg10[%select_n3A_216, %and3A_341], %gather3A_347 masked %lt3A_76 {add = true} : memref<1024x16xf32, #tpu.memory_space<vmem>>[vector<16xi32>, vector<16xi32>], vector<16xf32>, vector<16xi1>
      %add3A_348 = arith.constant 11 : i32
      %add3A_349 = vector.broadcast %add3A_348 : i32 to vector<16xi32>
      %add3A_350 = arith.addi %iota3A, %add3A_349 : vector<16xi32>
      %and3A_351 = arith.constant 15 : i32
      %and3A_352 = vector.broadcast %and3A_351 : i32 to vector<16xi32>
      %and3A_353 = arith.andi %add3A_350, %and3A_352 : vector<16xi32>
      %gather3A_354 = arith.constant 0 : i32
      %gather3A_355 = arith.constant 0 : i32
      %gather3A_356 = arith.constant 0 : i32
      %gather3A_357 = tpu.memref_slice %arg8[%gather3A_354, %gather3A_355, %gather3A_356] : memref<2x2512x16xf32, #tpu.memory_space<vmem>> -> memref<1x2512x16xf32, #tpu.memory_space<vmem>>
      %gather3A_358 = tpu.memref_squeeze %gather3A_357 : memref<1x2512x16xf32, #tpu.memory_space<vmem>> -> memref<2512x16xf32, #tpu.memory_space<vmem>>
      %gather3A_359 = tpu.vector_load_idx %gather3A_358[%add3A_210, %and3A_353] masked %lt3A_76 : memref<2512x16xf32, #tpu.memory_space<vmem>>[vector<16xi32>, vector<16xi32>], vector<16xf32>, vector<16xi1>
      tpu.vector_store_idx %arg10[%select_n3A_216, %and3A_353], %gather3A_359 masked %lt3A_76 {add = true} : memref<1024x16xf32, #tpu.memory_space<vmem>>[vector<16xi32>, vector<16xi32>], vector<16xf32>, vector<16xi1>
      %add3A_360 = arith.constant 12 : i32
      %add3A_361 = vector.broadcast %add3A_360 : i32 to vector<16xi32>
      %add3A_362 = arith.addi %iota3A, %add3A_361 : vector<16xi32>
      %and3A_363 = arith.constant 15 : i32
      %and3A_364 = vector.broadcast %and3A_363 : i32 to vector<16xi32>
      %and3A_365 = arith.andi %add3A_362, %and3A_364 : vector<16xi32>
      %gather3A_366 = arith.constant 0 : i32
      %gather3A_367 = arith.constant 0 : i32
      %gather3A_368 = arith.constant 0 : i32
      %gather3A_369 = tpu.memref_slice %arg8[%gather3A_366, %gather3A_367, %gather3A_368] : memref<2x2512x16xf32, #tpu.memory_space<vmem>> -> memref<1x2512x16xf32, #tpu.memory_space<vmem>>
      %gather3A_370 = tpu.memref_squeeze %gather3A_369 : memref<1x2512x16xf32, #tpu.memory_space<vmem>> -> memref<2512x16xf32, #tpu.memory_space<vmem>>
      %gather3A_371 = tpu.vector_load_idx %gather3A_370[%add3A_210, %and3A_365] masked %lt3A_76 : memref<2512x16xf32, #tpu.memory_space<vmem>>[vector<16xi32>, vector<16xi32>], vector<16xf32>, vector<16xi1>
      tpu.vector_store_idx %arg10[%select_n3A_216, %and3A_365], %gather3A_371 masked %lt3A_76 {add = true} : memref<1024x16xf32, #tpu.memory_space<vmem>>[vector<16xi32>, vector<16xi32>], vector<16xf32>, vector<16xi1>
      %add3A_372 = arith.constant 13 : i32
      %add3A_373 = vector.broadcast %add3A_372 : i32 to vector<16xi32>
      %add3A_374 = arith.addi %iota3A, %add3A_373 : vector<16xi32>
      %and3A_375 = arith.constant 15 : i32
      %and3A_376 = vector.broadcast %and3A_375 : i32 to vector<16xi32>
      %and3A_377 = arith.andi %add3A_374, %and3A_376 : vector<16xi32>
      %gather3A_378 = arith.constant 0 : i32
      %gather3A_379 = arith.constant 0 : i32
      %gather3A_380 = arith.constant 0 : i32
      %gather3A_381 = tpu.memref_slice %arg8[%gather3A_378, %gather3A_379, %gather3A_380] : memref<2x2512x16xf32, #tpu.memory_space<vmem>> -> memref<1x2512x16xf32, #tpu.memory_space<vmem>>
      %gather3A_382 = tpu.memref_squeeze %gather3A_381 : memref<1x2512x16xf32, #tpu.memory_space<vmem>> -> memref<2512x16xf32, #tpu.memory_space<vmem>>
      %gather3A_383 = tpu.vector_load_idx %gather3A_382[%add3A_210, %and3A_377] masked %lt3A_76 : memref<2512x16xf32, #tpu.memory_space<vmem>>[vector<16xi32>, vector<16xi32>], vector<16xf32>, vector<16xi1>
      tpu.vector_store_idx %arg10[%select_n3A_216, %and3A_377], %gather3A_383 masked %lt3A_76 {add = true} : memref<1024x16xf32, #tpu.memory_space<vmem>>[vector<16xi32>, vector<16xi32>], vector<16xf32>, vector<16xi1>
      %add3A_384 = arith.constant 14 : i32
      %add3A_385 = vector.broadcast %add3A_384 : i32 to vector<16xi32>
      %add3A_386 = arith.addi %iota3A, %add3A_385 : vector<16xi32>
      %and3A_387 = arith.constant 15 : i32
      %and3A_388 = vector.broadcast %and3A_387 : i32 to vector<16xi32>
      %and3A_389 = arith.andi %add3A_386, %and3A_388 : vector<16xi32>
      %gather3A_390 = arith.constant 0 : i32
      %gather3A_391 = arith.constant 0 : i32
      %gather3A_392 = arith.constant 0 : i32
      %gather3A_393 = tpu.memref_slice %arg8[%gather3A_390, %gather3A_391, %gather3A_392] : memref<2x2512x16xf32, #tpu.memory_space<vmem>> -> memref<1x2512x16xf32, #tpu.memory_space<vmem>>
      %gather3A_394 = tpu.memref_squeeze %gather3A_393 : memref<1x2512x16xf32, #tpu.memory_space<vmem>> -> memref<2512x16xf32, #tpu.memory_space<vmem>>
      %gather3A_395 = tpu.vector_load_idx %gather3A_394[%add3A_210, %and3A_389] masked %lt3A_76 : memref<2512x16xf32, #tpu.memory_space<vmem>>[vector<16xi32>, vector<16xi32>], vector<16xf32>, vector<16xi1>
      tpu.vector_store_idx %arg10[%select_n3A_216, %and3A_389], %gather3A_395 masked %lt3A_76 {add = true} : memref<1024x16xf32, #tpu.memory_space<vmem>>[vector<16xi32>, vector<16xi32>], vector<16xf32>, vector<16xi1>
      %add3A_396 = arith.constant 15 : i32
      %add3A_397 = vector.broadcast %add3A_396 : i32 to vector<16xi32>
      %add3A_398 = arith.addi %iota3A, %add3A_397 : vector<16xi32>
      %and3A_399 = arith.constant 15 : i32
      %and3A_400 = vector.broadcast %and3A_399 : i32 to vector<16xi32>
      %and3A_401 = arith.andi %add3A_398, %and3A_400 : vector<16xi32>
      %gather3A_402 = arith.constant 0 : i32
      %gather3A_403 = arith.constant 0 : i32
      %gather3A_404 = arith.constant 0 : i32
      %gather3A_405 = tpu.memref_slice %arg8[%gather3A_402, %gather3A_403, %gather3A_404] : memref<2x2512x16xf32, #tpu.memory_space<vmem>> -> memref<1x2512x16xf32, #tpu.memory_space<vmem>>
      %gather3A_406 = tpu.memref_squeeze %gather3A_405 : memref<1x2512x16xf32, #tpu.memory_space<vmem>> -> memref<2512x16xf32, #tpu.memory_space<vmem>>
      %gather3A_407 = tpu.vector_load_idx %gather3A_406[%add3A_210, %and3A_401] masked %lt3A_76 : memref<2512x16xf32, #tpu.memory_space<vmem>>[vector<16xi32>, vector<16xi32>], vector<16xf32>, vector<16xi1>
      tpu.vector_store_idx %arg10[%select_n3A_216, %and3A_401], %gather3A_407 masked %lt3A_76 {add = true} : memref<1024x16xf32, #tpu.memory_space<vmem>>[vector<16xi32>, vector<16xi32>], vector<16xf32>, vector<16xi1>
      %eq3A_408 = arith.constant 0 : i32
      %eq3A_409 = arith.cmpi eq, %rem3A_18, %eq3A_408 : i32
      %convert_element_type3A_410 = arith.extui %eq3A_409 : i1 to i32
      %cond3A_411 = arith.constant 0 : i32
      %cond3A_412 = arith.cmpi ne, %convert_element_type3A_410, %cond3A_411 : i32
      scf.if %cond3A_412 {
        tpu.vector_store_idx %arg11[%select_n3A_216], %broadcast_in_dim3A_74 masked %lt3A_76 {add = true} : memref<1024xf32, #tpu.memory_space<vmem>>[vector<16xi32>], vector<16xf32>, vector<16xi1>
      } else {
      }
      %lt3A_413 = arith.constant 4 : i32
      %lt3A_414 = arith.cmpi slt, %scan3A_184, %lt3A_413 : i32
      %convert_element_type3A_415 = arith.extui %lt3A_414 : i1 to i32
      %cond3A_416 = arith.constant 0 : i32
      %cond3A_417 = arith.cmpi ne, %convert_element_type3A_415, %cond3A_416 : i32
      scf.if %cond3A_417 {
        %add3A_654 = arith.constant 2 : i32
        %add3A_655 = arith.addi %add3A_188, %add3A_654 : i32
        %mul3A_656 = arith.constant 2500 : i32
        %mul3A_657 = arith.muli %add3A_655, %mul3A_656 : i32
        %add3A_658 = arith.addi %mul3A_20, %mul3A_657 : i32
        %dma_start3A_659 = arith.constant 0 : i32
        %dma_start3A_660 = arith.constant 0 : i32
        %dma_start3A_661 = arith.constant 0 : i32
        %dma_start3A_662 = tpu.memref_slice %arg8[%dma_start3A_659, %dma_start3A_660, %dma_start3A_661] : memref<2x2512x16xf32, #tpu.memory_space<vmem>> -> memref<1x2500x16xf32, #tpu.memory_space<vmem>>
        %dma_start3A_663 = tpu.memref_squeeze %dma_start3A_662 : memref<1x2500x16xf32, #tpu.memory_space<vmem>> -> memref<2500x16xf32, #tpu.memory_space<vmem>>
        %dma_start3A_664 = tpu.memref_slice %arg2[%add3A_658, %mul3A_22] : memref<100000x128xf32, #tpu.memory_space<hbm>> -> memref<2500x16xf32, #tpu.memory_space<hbm>>
        %dma_start3A_665 = arith.constant 0 : i32
        %dma_start3A_666 = arith.constant 0 : i32
        %dma_start3A_667 = tpu.memref_slice %arg8[%dma_start3A_659, %dma_start3A_665, %dma_start3A_666] : memref<2x2512x16xf32, #tpu.memory_space<vmem>> -> memref<1x2500x16xf32, #tpu.memory_space<vmem>>
        %dma_start3A_668 = tpu.memref_squeeze %dma_start3A_667 : memref<1x2500x16xf32, #tpu.memory_space<vmem>> -> memref<2500x16xf32, #tpu.memory_space<vmem>>
        %dma_start3A_669 = tpu.memref_slice %arg2[%add3A_658, %mul3A_22] : memref<100000x128xf32, #tpu.memory_space<hbm>> -> memref<2500x16xf32, #tpu.memory_space<hbm>>
        tpu.enqueue_dma source(%dma_start3A_669 : memref<2500x16xf32, #tpu.memory_space<hbm>>) target(%dma_start3A_668 : memref<2500x16xf32, #tpu.memory_space<vmem>>) target_semaphore(%arg15 : memref<!tpu.dma_semaphore, #tpu.memory_space<semaphore_mem>>)
      } else {
      }
      %mul3A_418 = arith.constant 2 : i32
      %mul3A_419 = arith.muli %mul3A_418, %scan3A_184 : i32
      %add3A_420 = arith.constant 1 : i32
      %add3A_421 = arith.addi %mul3A_419, %add3A_420 : i32
      %mul3A_422 = arith.constant 2500 : i32
      %mul3A_423 = arith.muli %add3A_421, %mul3A_422 : i32
      %add3A_424 = arith.addi %mul3A_20, %mul3A_423 : i32
      %dma_wait3A_425 = arith.constant 1 : i32
      %dma_wait3A_426 = arith.constant 0 : i32
      %dma_wait3A_427 = arith.constant 0 : i32
      %dma_wait3A_428 = tpu.memref_slice %arg8[%dma_wait3A_425, %dma_wait3A_426, %dma_wait3A_427] : memref<2x2512x16xf32, #tpu.memory_space<vmem>> -> memref<1x2500x16xf32, #tpu.memory_space<vmem>>
      %dma_wait3A_429 = tpu.memref_squeeze %dma_wait3A_428 : memref<1x2500x16xf32, #tpu.memory_space<vmem>> -> memref<2500x16xf32, #tpu.memory_space<vmem>>
      %dma_wait3A_430 = tpu.memref_slice %arg2[%add3A_424, %mul3A_22] : memref<100000x128xf32, #tpu.memory_space<hbm>> -> memref<2500x16xf32, #tpu.memory_space<hbm>>
      %dma_wait3A_431 = arith.constant 0 : i32
      %dma_wait3A_432 = arith.constant 0 : i32
      %dma_wait3A_433 = tpu.memref_slice %arg8[%dma_wait3A_425, %dma_wait3A_431, %dma_wait3A_432] : memref<2x2512x16xf32, #tpu.memory_space<vmem>> -> memref<1x2500x16xf32, #tpu.memory_space<vmem>>
      %dma_wait3A_434 = tpu.memref_squeeze %dma_wait3A_433 : memref<1x2500x16xf32, #tpu.memory_space<vmem>> -> memref<2500x16xf32, #tpu.memory_space<vmem>>
      %dma_wait3A_435 = tpu.memref_slice %arg2[%add3A_424, %mul3A_22] : memref<100000x128xf32, #tpu.memory_space<hbm>> -> memref<2500x16xf32, #tpu.memory_space<hbm>>
      tpu.wait_dma2 semaphore(%arg16 : memref<!tpu.dma_semaphore, #tpu.memory_space<semaphore_mem>>) src(%dma_wait3A_435 : memref<2500x16xf32, #tpu.memory_space<hbm>>) dst(%dma_wait3A_434 : memref<2500x16xf32, #tpu.memory_space<vmem>>)
      %mul3A_436 = arith.constant 2500 : i32
      %mul3A_437 = arith.muli %add3A_421, %mul3A_436 : i32
      %parallel_loop3A_438 = arith.constant 0 : i32
      %parallel_loop3A_439 = arith.constant 2496 : i32
      %parallel_loop3A_440 = arith.constant 16 : i32
      %parallel_loop3A_441 = arith.constant 1 : i32
      scf.for %parallel_loop3A_654 = %parallel_loop3A_438 to %parallel_loop3A_439 step %parallel_loop3A_440  : i32 {
        %parallel_loop3A_655 = vector.broadcast %parallel_loop3A_654 : i32 to vector<16xi32>
        %parallel_loop3A_656 = arith.addi %parallel_loop3A_655, %iota3A : vector<16xi32>
        %parallel_loop3A_657 = arith.addi %mul3A_437, %parallel_loop3A_654 : i32
        %parallel_loop3A_658 = arith.index_cast %parallel_loop3A_657 : i32 to index
        %parallel_loop3A_659 = tpu.vector_load %arg9[%parallel_loop3A_658] {strides = array<i32>} : memref<25032xi32, #tpu.memory_space<vmem>>, vector<16xi32>,
        %parallel_loop3A_660 = arith.addi %mul3A_437, %parallel_loop3A_654 : i32
        %parallel_loop3A_661 = arith.constant 0 : i32
        %parallel_loop3A_662 = arith.constant 0 : i32
        %parallel_loop3A_663 = tpu.memref_slice %arg8[%parallel_loop3A_441, %parallel_loop3A_661, %parallel_loop3A_662] : memref<2x2512x16xf32, #tpu.memory_space<vmem>> -> memref<1x2512x16xf32, #tpu.memory_space<vmem>>
        %parallel_loop3A_664 = tpu.memref_squeeze %parallel_loop3A_663 : memref<1x2512x16xf32, #tpu.memory_space<vmem>> -> memref<2512x16xf32, #tpu.memory_space<vmem>>
        %parallel_loop3A_665 = tpu.vector_load_idx %parallel_loop3A_664[%parallel_loop3A_656, %and3A_82] : memref<2512x16xf32, #tpu.memory_space<vmem>>[vector<16xi32>, vector<16xi32>], vector<16xf32>,
        %parallel_loop3A_666 = arith.constant 0 : i32
        %parallel_loop3A_667 = arith.constant 0 : i32
        %parallel_loop3A_668 = tpu.memref_slice %arg8[%parallel_loop3A_441, %parallel_loop3A_666, %parallel_loop3A_667] : memref<2x2512x16xf32, #tpu.memory_space<vmem>> -> memref<1x2512x16xf32, #tpu.memory_space<vmem>>
        %parallel_loop3A_669 = tpu.memref_squeeze %parallel_loop3A_668 : memref<1x2512x16xf32, #tpu.memory_space<vmem>> -> memref<2512x16xf32, #tpu.memory_space<vmem>>
        %parallel_loop3A_670 = tpu.vector_load_idx %parallel_loop3A_669[%parallel_loop3A_656, %and3A_88] : memref<2512x16xf32, #tpu.memory_space<vmem>>[vector<16xi32>, vector<16xi32>], vector<16xf32>,
        %parallel_loop3A_671 = arith.constant 0 : i32
        %parallel_loop3A_672 = arith.constant 0 : i32
        %parallel_loop3A_673 = tpu.memref_slice %arg8[%parallel_loop3A_441, %parallel_loop3A_671, %parallel_loop3A_672] : memref<2x2512x16xf32, #tpu.memory_space<vmem>> -> memref<1x2512x16xf32, #tpu.memory_space<vmem>>
        %parallel_loop3A_674 = tpu.memref_squeeze %parallel_loop3A_673 : memref<1x2512x16xf32, #tpu.memory_space<vmem>> -> memref<2512x16xf32, #tpu.memory_space<vmem>>
        %parallel_loop3A_675 = tpu.vector_load_idx %parallel_loop3A_674[%parallel_loop3A_656, %and3A_94] : memref<2512x16xf32, #tpu.memory_space<vmem>>[vector<16xi32>, vector<16xi32>], vector<16xf32>,
        %parallel_loop3A_676 = arith.constant 0 : i32
        %parallel_loop3A_677 = arith.constant 0 : i32
        %parallel_loop3A_678 = tpu.memref_slice %arg8[%parallel_loop3A_441, %parallel_loop3A_676, %parallel_loop3A_677] : memref<2x2512x16xf32, #tpu.memory_space<vmem>> -> memref<1x2512x16xf32, #tpu.memory_space<vmem>>
        %parallel_loop3A_679 = tpu.memref_squeeze %parallel_loop3A_678 : memref<1x2512x16xf32, #tpu.memory_space<vmem>> -> memref<2512x16xf32, #tpu.memory_space<vmem>>
        %parallel_loop3A_680 = tpu.vector_load_idx %parallel_loop3A_679[%parallel_loop3A_656, %and3A_100] : memref<2512x16xf32, #tpu.memory_space<vmem>>[vector<16xi32>, vector<16xi32>], vector<16xf32>,
        %parallel_loop3A_681 = arith.constant 0 : i32
        %parallel_loop3A_682 = arith.constant 0 : i32
        %parallel_loop3A_683 = tpu.memref_slice %arg8[%parallel_loop3A_441, %parallel_loop3A_681, %parallel_loop3A_682] : memref<2x2512x16xf32, #tpu.memory_space<vmem>> -> memref<1x2512x16xf32, #tpu.memory_space<vmem>>
        %parallel_loop3A_684 = tpu.memref_squeeze %parallel_loop3A_683 : memref<1x2512x16xf32, #tpu.memory_space<vmem>> -> memref<2512x16xf32, #tpu.memory_space<vmem>>
        %parallel_loop3A_685 = tpu.vector_load_idx %parallel_loop3A_684[%parallel_loop3A_656, %and3A_106] : memref<2512x16xf32, #tpu.memory_space<vmem>>[vector<16xi32>, vector<16xi32>], vector<16xf32>,
        %parallel_loop3A_686 = arith.constant 0 : i32
        %parallel_loop3A_687 = arith.constant 0 : i32
        %parallel_loop3A_688 = tpu.memref_slice %arg8[%parallel_loop3A_441, %parallel_loop3A_686, %parallel_loop3A_687] : memref<2x2512x16xf32, #tpu.memory_space<vmem>> -> memref<1x2512x16xf32, #tpu.memory_space<vmem>>
        %parallel_loop3A_689 = tpu.memref_squeeze %parallel_loop3A_688 : memref<1x2512x16xf32, #tpu.memory_space<vmem>> -> memref<2512x16xf32, #tpu.memory_space<vmem>>
        %parallel_loop3A_690 = tpu.vector_load_idx %parallel_loop3A_689[%parallel_loop3A_656, %and3A_112] : memref<2512x16xf32, #tpu.memory_space<vmem>>[vector<16xi32>, vector<16xi32>], vector<16xf32>,
        %parallel_loop3A_691 = arith.constant 0 : i32
        %parallel_loop3A_692 = arith.constant 0 : i32
        %parallel_loop3A_693 = tpu.memref_slice %arg8[%parallel_loop3A_441, %parallel_loop3A_691, %parallel_loop3A_692] : memref<2x2512x16xf32, #tpu.memory_space<vmem>> -> memref<1x2512x16xf32, #tpu.memory_space<vmem>>
        %parallel_loop3A_694 = tpu.memref_squeeze %parallel_loop3A_693 : memref<1x2512x16xf32, #tpu.memory_space<vmem>> -> memref<2512x16xf32, #tpu.memory_space<vmem>>
        %parallel_loop3A_695 = tpu.vector_load_idx %parallel_loop3A_694[%parallel_loop3A_656, %and3A_118] : memref<2512x16xf32, #tpu.memory_space<vmem>>[vector<16xi32>, vector<16xi32>], vector<16xf32>,
        %parallel_loop3A_696 = arith.constant 0 : i32
        %parallel_loop3A_697 = arith.constant 0 : i32
        %parallel_loop3A_698 = tpu.memref_slice %arg8[%parallel_loop3A_441, %parallel_loop3A_696, %parallel_loop3A_697] : memref<2x2512x16xf32, #tpu.memory_space<vmem>> -> memref<1x2512x16xf32, #tpu.memory_space<vmem>>
        %parallel_loop3A_699 = tpu.memref_squeeze %parallel_loop3A_698 : memref<1x2512x16xf32, #tpu.memory_space<vmem>> -> memref<2512x16xf32, #tpu.memory_space<vmem>>
        %parallel_loop3A_700 = tpu.vector_load_idx %parallel_loop3A_699[%parallel_loop3A_656, %and3A_124] : memref<2512x16xf32, #tpu.memory_space<vmem>>[vector<16xi32>, vector<16xi32>], vector<16xf32>,
        %parallel_loop3A_701 = arith.constant 0 : i32
        %parallel_loop3A_702 = arith.constant 0 : i32
        %parallel_loop3A_703 = tpu.memref_slice %arg8[%parallel_loop3A_441, %parallel_loop3A_701, %parallel_loop3A_702] : memref<2x2512x16xf32, #tpu.memory_space<vmem>> -> memref<1x2512x16xf32, #tpu.memory_space<vmem>>
        %parallel_loop3A_704 = tpu.memref_squeeze %parallel_loop3A_703 : memref<1x2512x16xf32, #tpu.memory_space<vmem>> -> memref<2512x16xf32, #tpu.memory_space<vmem>>
        %parallel_loop3A_705 = tpu.vector_load_idx %parallel_loop3A_704[%parallel_loop3A_656, %and3A_130] : memref<2512x16xf32, #tpu.memory_space<vmem>>[vector<16xi32>, vector<16xi32>], vector<16xf32>,
        %parallel_loop3A_706 = arith.constant 0 : i32
        %parallel_loop3A_707 = arith.constant 0 : i32
        %parallel_loop3A_708 = tpu.memref_slice %arg8[%parallel_loop3A_441, %parallel_loop3A_706, %parallel_loop3A_707] : memref<2x2512x16xf32, #tpu.memory_space<vmem>> -> memref<1x2512x16xf32, #tpu.memory_space<vmem>>
        %parallel_loop3A_709 = tpu.memref_squeeze %parallel_loop3A_708 : memref<1x2512x16xf32, #tpu.memory_space<vmem>> -> memref<2512x16xf32, #tpu.memory_space<vmem>>
        %parallel_loop3A_710 = tpu.vector_load_idx %parallel_loop3A_709[%parallel_loop3A_656, %and3A_136] : memref<2512x16xf32, #tpu.memory_space<vmem>>[vector<16xi32>, vector<16xi32>], vector<16xf32>,
        %parallel_loop3A_711 = arith.constant 0 : i32
        %parallel_loop3A_712 = arith.constant 0 : i32
        %parallel_loop3A_713 = tpu.memref_slice %arg8[%parallel_loop3A_441, %parallel_loop3A_711, %parallel_loop3A_712] : memref<2x2512x16xf32, #tpu.memory_space<vmem>> -> memref<1x2512x16xf32, #tpu.memory_space<vmem>>
        %parallel_loop3A_714 = tpu.memref_squeeze %parallel_loop3A_713 : memref<1x2512x16xf32, #tpu.memory_space<vmem>> -> memref<2512x16xf32, #tpu.memory_space<vmem>>
        %parallel_loop3A_715 = tpu.vector_load_idx %parallel_loop3A_714[%parallel_loop3A_656, %and3A_142] : memref<2512x16xf32, #tpu.memory_space<vmem>>[vector<16xi32>, vector<16xi32>], vector<16xf32>,
        %parallel_loop3A_716 = arith.constant 0 : i32
        %parallel_loop3A_717 = arith.constant 0 : i32
        %parallel_loop3A_718 = tpu.memref_slice %arg8[%parallel_loop3A_441, %parallel_loop3A_716, %parallel_loop3A_717] : memref<2x2512x16xf32, #tpu.memory_space<vmem>> -> memref<1x2512x16xf32, #tpu.memory_space<vmem>>
        %parallel_loop3A_719 = tpu.memref_squeeze %parallel_loop3A_718 : memref<1x2512x16xf32, #tpu.memory_space<vmem>> -> memref<2512x16xf32, #tpu.memory_space<vmem>>
        %parallel_loop3A_720 = tpu.vector_load_idx %parallel_loop3A_719[%parallel_loop3A_656, %and3A_148] : memref<2512x16xf32, #tpu.memory_space<vmem>>[vector<16xi32>, vector<16xi32>], vector<16xf32>,
        %parallel_loop3A_721 = arith.constant 0 : i32
        %parallel_loop3A_722 = arith.constant 0 : i32
        %parallel_loop3A_723 = tpu.memref_slice %arg8[%parallel_loop3A_441, %parallel_loop3A_721, %parallel_loop3A_722] : memref<2x2512x16xf32, #tpu.memory_space<vmem>> -> memref<1x2512x16xf32, #tpu.memory_space<vmem>>
        %parallel_loop3A_724 = tpu.memref_squeeze %parallel_loop3A_723 : memref<1x2512x16xf32, #tpu.memory_space<vmem>> -> memref<2512x16xf32, #tpu.memory_space<vmem>>
        %parallel_loop3A_725 = tpu.vector_load_idx %parallel_loop3A_724[%parallel_loop3A_656, %and3A_154] : memref<2512x16xf32, #tpu.memory_space<vmem>>[vector<16xi32>, vector<16xi32>], vector<16xf32>,
        %parallel_loop3A_726 = arith.constant 0 : i32
        %parallel_loop3A_727 = arith.constant 0 : i32
        %parallel_loop3A_728 = tpu.memref_slice %arg8[%parallel_loop3A_441, %parallel_loop3A_726, %parallel_loop3A_727] : memref<2x2512x16xf32, #tpu.memory_space<vmem>> -> memref<1x2512x16xf32, #tpu.memory_space<vmem>>
        %parallel_loop3A_729 = tpu.memref_squeeze %parallel_loop3A_728 : memref<1x2512x16xf32, #tpu.memory_space<vmem>> -> memref<2512x16xf32, #tpu.memory_space<vmem>>
        %parallel_loop3A_730 = tpu.vector_load_idx %parallel_loop3A_729[%parallel_loop3A_656, %and3A_160] : memref<2512x16xf32, #tpu.memory_space<vmem>>[vector<16xi32>, vector<16xi32>], vector<16xf32>,
        %parallel_loop3A_731 = arith.constant 0 : i32
        %parallel_loop3A_732 = arith.constant 0 : i32
        %parallel_loop3A_733 = tpu.memref_slice %arg8[%parallel_loop3A_441, %parallel_loop3A_731, %parallel_loop3A_732] : memref<2x2512x16xf32, #tpu.memory_space<vmem>> -> memref<1x2512x16xf32, #tpu.memory_space<vmem>>
        %parallel_loop3A_734 = tpu.memref_squeeze %parallel_loop3A_733 : memref<1x2512x16xf32, #tpu.memory_space<vmem>> -> memref<2512x16xf32, #tpu.memory_space<vmem>>
        %parallel_loop3A_735 = tpu.vector_load_idx %parallel_loop3A_734[%parallel_loop3A_656, %and3A_166] : memref<2512x16xf32, #tpu.memory_space<vmem>>[vector<16xi32>, vector<16xi32>], vector<16xf32>,
        %parallel_loop3A_736 = arith.constant 0 : i32
        %parallel_loop3A_737 = arith.constant 0 : i32
        %parallel_loop3A_738 = tpu.memref_slice %arg8[%parallel_loop3A_441, %parallel_loop3A_736, %parallel_loop3A_737] : memref<2x2512x16xf32, #tpu.memory_space<vmem>> -> memref<1x2512x16xf32, #tpu.memory_space<vmem>>
        %parallel_loop3A_739 = tpu.memref_squeeze %parallel_loop3A_738 : memref<1x2512x16xf32, #tpu.memory_space<vmem>> -> memref<2512x16xf32, #tpu.memory_space<vmem>>
        %parallel_loop3A_740 = tpu.vector_load_idx %parallel_loop3A_739[%parallel_loop3A_656, %and3A_172] : memref<2512x16xf32, #tpu.memory_space<vmem>>[vector<16xi32>, vector<16xi32>], vector<16xf32>,
        tpu.vector_store_idx %arg10[%parallel_loop3A_659, %and3A_82], %parallel_loop3A_665 {add = true} : memref<1024x16xf32, #tpu.memory_space<vmem>>[vector<16xi32>, vector<16xi32>], vector<16xf32>,
        tpu.vector_store_idx %arg10[%parallel_loop3A_659, %and3A_88], %parallel_loop3A_670 {add = true} : memref<1024x16xf32, #tpu.memory_space<vmem>>[vector<16xi32>, vector<16xi32>], vector<16xf32>,
        tpu.vector_store_idx %arg10[%parallel_loop3A_659, %and3A_94], %parallel_loop3A_675 {add = true} : memref<1024x16xf32, #tpu.memory_space<vmem>>[vector<16xi32>, vector<16xi32>], vector<16xf32>,
        tpu.vector_store_idx %arg10[%parallel_loop3A_659, %and3A_100], %parallel_loop3A_680 {add = true} : memref<1024x16xf32, #tpu.memory_space<vmem>>[vector<16xi32>, vector<16xi32>], vector<16xf32>,
        tpu.vector_store_idx %arg10[%parallel_loop3A_659, %and3A_106], %parallel_loop3A_685 {add = true} : memref<1024x16xf32, #tpu.memory_space<vmem>>[vector<16xi32>, vector<16xi32>], vector<16xf32>,
        tpu.vector_store_idx %arg10[%parallel_loop3A_659, %and3A_112], %parallel_loop3A_690 {add = true} : memref<1024x16xf32, #tpu.memory_space<vmem>>[vector<16xi32>, vector<16xi32>], vector<16xf32>,
        tpu.vector_store_idx %arg10[%parallel_loop3A_659, %and3A_118], %parallel_loop3A_695 {add = true} : memref<1024x16xf32, #tpu.memory_space<vmem>>[vector<16xi32>, vector<16xi32>], vector<16xf32>,
        tpu.vector_store_idx %arg10[%parallel_loop3A_659, %and3A_124], %parallel_loop3A_700 {add = true} : memref<1024x16xf32, #tpu.memory_space<vmem>>[vector<16xi32>, vector<16xi32>], vector<16xf32>,
        tpu.vector_store_idx %arg10[%parallel_loop3A_659, %and3A_130], %parallel_loop3A_705 {add = true} : memref<1024x16xf32, #tpu.memory_space<vmem>>[vector<16xi32>, vector<16xi32>], vector<16xf32>,
        tpu.vector_store_idx %arg10[%parallel_loop3A_659, %and3A_136], %parallel_loop3A_710 {add = true} : memref<1024x16xf32, #tpu.memory_space<vmem>>[vector<16xi32>, vector<16xi32>], vector<16xf32>,
        tpu.vector_store_idx %arg10[%parallel_loop3A_659, %and3A_142], %parallel_loop3A_715 {add = true} : memref<1024x16xf32, #tpu.memory_space<vmem>>[vector<16xi32>, vector<16xi32>], vector<16xf32>,
        tpu.vector_store_idx %arg10[%parallel_loop3A_659, %and3A_148], %parallel_loop3A_720 {add = true} : memref<1024x16xf32, #tpu.memory_space<vmem>>[vector<16xi32>, vector<16xi32>], vector<16xf32>,
        tpu.vector_store_idx %arg10[%parallel_loop3A_659, %and3A_154], %parallel_loop3A_725 {add = true} : memref<1024x16xf32, #tpu.memory_space<vmem>>[vector<16xi32>, vector<16xi32>], vector<16xf32>,
        tpu.vector_store_idx %arg10[%parallel_loop3A_659, %and3A_160], %parallel_loop3A_730 {add = true} : memref<1024x16xf32, #tpu.memory_space<vmem>>[vector<16xi32>, vector<16xi32>], vector<16xf32>,
        tpu.vector_store_idx %arg10[%parallel_loop3A_659, %and3A_166], %parallel_loop3A_735 {add = true} : memref<1024x16xf32, #tpu.memory_space<vmem>>[vector<16xi32>, vector<16xi32>], vector<16xf32>,
        tpu.vector_store_idx %arg10[%parallel_loop3A_659, %and3A_172], %parallel_loop3A_740 {add = true} : memref<1024x16xf32, #tpu.memory_space<vmem>>[vector<16xi32>, vector<16xi32>], vector<16xf32>,
        %parallel_loop3A_741 = arith.constant 0 : i32
        %parallel_loop3A_742 = arith.cmpi eq, %rem3A_18, %parallel_loop3A_741 : i32
        %parallel_loop3A_743 = arith.extui %parallel_loop3A_742 : i1 to i32
        %parallel_loop3A_744 = arith.constant 0 : i32
        %parallel_loop3A_745 = arith.cmpi ne, %parallel_loop3A_743, %parallel_loop3A_744 : i32
        scf.if %parallel_loop3A_745 {
          tpu.vector_store_idx %arg11[%parallel_loop3A_659], %broadcast_in_dim3A_74 {add = true} : memref<1024xf32, #tpu.memory_space<vmem>>[vector<16xi32>], vector<16xf32>,
        } else {
        }
      } {sc.loop_unroll_factor = 2 : i64, sc.parallel_access}
      %add3A_442 = arith.constant 2496 : i32
      %add3A_443 = vector.broadcast %add3A_442 : i32 to vector<16xi32>
      %add3A_444 = arith.addi %add3A_443, %iota3A : vector<16xi32>
      %add3A_445 = arith.constant 2496 : i32
      %add3A_446 = arith.addi %mul3A_437, %add3A_445 : i32
      %get3A_447 = arith.index_cast %add3A_446 : i32 to index
      %get3A_448 = tpu.vector_load %arg9[%get3A_447] {strides = array<i32>} : memref<25032xi32, #tpu.memory_space<vmem>>, vector<16xi32>,
      %jit3A_449 = arith.constant 0 : i32
      %broadcast_in_dim3A_450 = vector.broadcast %jit3A_449 : i32 to vector<16xi32>
      %select_n3A_451 = arith.select %lt3A_76, %get3A_448, %broadcast_in_dim3A_450 : vector<16xi1>, vector<16xi32>
      %add3A_452 = arith.constant 0 : i32
      %add3A_453 = vector.broadcast %add3A_452 : i32 to vector<16xi32>
      %add3A_454 = arith.addi %iota3A, %add3A_453 : vector<16xi32>
      %and3A_455 = arith.constant 15 : i32
      %and3A_456 = vector.broadcast %and3A_455 : i32 to vector<16xi32>
      %and3A_457 = arith.andi %add3A_454, %and3A_456 : vector<16xi32>
      %gather3A_458 = arith.constant 1 : i32
      %gather3A_459 = arith.constant 0 : i32
      %gather3A_460 = arith.constant 0 : i32
      %gather3A_461 = tpu.memref_slice %arg8[%gather3A_458, %gather3A_459, %gather3A_460] : memref<2x2512x16xf32, #tpu.memory_space<vmem>> -> memref<1x2512x16xf32, #tpu.memory_space<vmem>>
      %gather3A_462 = tpu.memref_squeeze %gather3A_461 : memref<1x2512x16xf32, #tpu.memory_space<vmem>> -> memref<2512x16xf32, #tpu.memory_space<vmem>>
      %gather3A_463 = tpu.vector_load_idx %gather3A_462[%add3A_444, %and3A_457] masked %lt3A_76 : memref<2512x16xf32, #tpu.memory_space<vmem>>[vector<16xi32>, vector<16xi32>], vector<16xf32>, vector<16xi1>
      tpu.vector_store_idx %arg10[%select_n3A_451, %and3A_457], %gather3A_463 masked %lt3A_76 {add = true} : memref<1024x16xf32, #tpu.memory_space<vmem>>[vector<16xi32>, vector<16xi32>], vector<16xf32>, vector<16xi1>
      %add3A_464 = arith.constant 1 : i32
      %add3A_465 = vector.broadcast %add3A_464 : i32 to vector<16xi32>
      %add3A_466 = arith.addi %iota3A, %add3A_465 : vector<16xi32>
      %and3A_467 = arith.constant 15 : i32
      %and3A_468 = vector.broadcast %and3A_467 : i32 to vector<16xi32>
      %and3A_469 = arith.andi %add3A_466, %and3A_468 : vector<16xi32>
      %gather3A_470 = arith.constant 1 : i32
      %gather3A_471 = arith.constant 0 : i32
      %gather3A_472 = arith.constant 0 : i32
      %gather3A_473 = tpu.memref_slice %arg8[%gather3A_470, %gather3A_471, %gather3A_472] : memref<2x2512x16xf32, #tpu.memory_space<vmem>> -> memref<1x2512x16xf32, #tpu.memory_space<vmem>>
      %gather3A_474 = tpu.memref_squeeze %gather3A_473 : memref<1x2512x16xf32, #tpu.memory_space<vmem>> -> memref<2512x16xf32, #tpu.memory_space<vmem>>
      %gather3A_475 = tpu.vector_load_idx %gather3A_474[%add3A_444, %and3A_469] masked %lt3A_76 : memref<2512x16xf32, #tpu.memory_space<vmem>>[vector<16xi32>, vector<16xi32>], vector<16xf32>, vector<16xi1>
      tpu.vector_store_idx %arg10[%select_n3A_451, %and3A_469], %gather3A_475 masked %lt3A_76 {add = true} : memref<1024x16xf32, #tpu.memory_space<vmem>>[vector<16xi32>, vector<16xi32>], vector<16xf32>, vector<16xi1>
      %add3A_476 = arith.constant 2 : i32
      %add3A_477 = vector.broadcast %add3A_476 : i32 to vector<16xi32>
      %add3A_478 = arith.addi %iota3A, %add3A_477 : vector<16xi32>
      %and3A_479 = arith.constant 15 : i32
      %and3A_480 = vector.broadcast %and3A_479 : i32 to vector<16xi32>
      %and3A_481 = arith.andi %add3A_478, %and3A_480 : vector<16xi32>
      %gather3A_482 = arith.constant 1 : i32
      %gather3A_483 = arith.constant 0 : i32
      %gather3A_484 = arith.constant 0 : i32
      %gather3A_485 = tpu.memref_slice %arg8[%gather3A_482, %gather3A_483, %gather3A_484] : memref<2x2512x16xf32, #tpu.memory_space<vmem>> -> memref<1x2512x16xf32, #tpu.memory_space<vmem>>
      %gather3A_486 = tpu.memref_squeeze %gather3A_485 : memref<1x2512x16xf32, #tpu.memory_space<vmem>> -> memref<2512x16xf32, #tpu.memory_space<vmem>>
      %gather3A_487 = tpu.vector_load_idx %gather3A_486[%add3A_444, %and3A_481] masked %lt3A_76 : memref<2512x16xf32, #tpu.memory_space<vmem>>[vector<16xi32>, vector<16xi32>], vector<16xf32>, vector<16xi1>
      tpu.vector_store_idx %arg10[%select_n3A_451, %and3A_481], %gather3A_487 masked %lt3A_76 {add = true} : memref<1024x16xf32, #tpu.memory_space<vmem>>[vector<16xi32>, vector<16xi32>], vector<16xf32>, vector<16xi1>
      %add3A_488 = arith.constant 3 : i32
      %add3A_489 = vector.broadcast %add3A_488 : i32 to vector<16xi32>
      %add3A_490 = arith.addi %iota3A, %add3A_489 : vector<16xi32>
      %and3A_491 = arith.constant 15 : i32
      %and3A_492 = vector.broadcast %and3A_491 : i32 to vector<16xi32>
      %and3A_493 = arith.andi %add3A_490, %and3A_492 : vector<16xi32>
      %gather3A_494 = arith.constant 1 : i32
      %gather3A_495 = arith.constant 0 : i32
      %gather3A_496 = arith.constant 0 : i32
      %gather3A_497 = tpu.memref_slice %arg8[%gather3A_494, %gather3A_495, %gather3A_496] : memref<2x2512x16xf32, #tpu.memory_space<vmem>> -> memref<1x2512x16xf32, #tpu.memory_space<vmem>>
      %gather3A_498 = tpu.memref_squeeze %gather3A_497 : memref<1x2512x16xf32, #tpu.memory_space<vmem>> -> memref<2512x16xf32, #tpu.memory_space<vmem>>
      %gather3A_499 = tpu.vector_load_idx %gather3A_498[%add3A_444, %and3A_493] masked %lt3A_76 : memref<2512x16xf32, #tpu.memory_space<vmem>>[vector<16xi32>, vector<16xi32>], vector<16xf32>, vector<16xi1>
      tpu.vector_store_idx %arg10[%select_n3A_451, %and3A_493], %gather3A_499 masked %lt3A_76 {add = true} : memref<1024x16xf32, #tpu.memory_space<vmem>>[vector<16xi32>, vector<16xi32>], vector<16xf32>, vector<16xi1>
      %add3A_500 = arith.constant 4 : i32
      %add3A_501 = vector.broadcast %add3A_500 : i32 to vector<16xi32>
      %add3A_502 = arith.addi %iota3A, %add3A_501 : vector<16xi32>
      %and3A_503 = arith.constant 15 : i32
      %and3A_504 = vector.broadcast %and3A_503 : i32 to vector<16xi32>
      %and3A_505 = arith.andi %add3A_502, %and3A_504 : vector<16xi32>
      %gather3A_506 = arith.constant 1 : i32
      %gather3A_507 = arith.constant 0 : i32
      %gather3A_508 = arith.constant 0 : i32
      %gather3A_509 = tpu.memref_slice %arg8[%gather3A_506, %gather3A_507, %gather3A_508] : memref<2x2512x16xf32, #tpu.memory_space<vmem>> -> memref<1x2512x16xf32, #tpu.memory_space<vmem>>
      %gather3A_510 = tpu.memref_squeeze %gather3A_509 : memref<1x2512x16xf32, #tpu.memory_space<vmem>> -> memref<2512x16xf32, #tpu.memory_space<vmem>>
      %gather3A_511 = tpu.vector_load_idx %gather3A_510[%add3A_444, %and3A_505] masked %lt3A_76 : memref<2512x16xf32, #tpu.memory_space<vmem>>[vector<16xi32>, vector<16xi32>], vector<16xf32>, vector<16xi1>
      tpu.vector_store_idx %arg10[%select_n3A_451, %and3A_505], %gather3A_511 masked %lt3A_76 {add = true} : memref<1024x16xf32, #tpu.memory_space<vmem>>[vector<16xi32>, vector<16xi32>], vector<16xf32>, vector<16xi1>
      %add3A_512 = arith.constant 5 : i32
      %add3A_513 = vector.broadcast %add3A_512 : i32 to vector<16xi32>
      %add3A_514 = arith.addi %iota3A, %add3A_513 : vector<16xi32>
      %and3A_515 = arith.constant 15 : i32
      %and3A_516 = vector.broadcast %and3A_515 : i32 to vector<16xi32>
      %and3A_517 = arith.andi %add3A_514, %and3A_516 : vector<16xi32>
      %gather3A_518 = arith.constant 1 : i32
      %gather3A_519 = arith.constant 0 : i32
      %gather3A_520 = arith.constant 0 : i32
      %gather3A_521 = tpu.memref_slice %arg8[%gather3A_518, %gather3A_519, %gather3A_520] : memref<2x2512x16xf32, #tpu.memory_space<vmem>> -> memref<1x2512x16xf32, #tpu.memory_space<vmem>>
      %gather3A_522 = tpu.memref_squeeze %gather3A_521 : memref<1x2512x16xf32, #tpu.memory_space<vmem>> -> memref<2512x16xf32, #tpu.memory_space<vmem>>
      %gather3A_523 = tpu.vector_load_idx %gather3A_522[%add3A_444, %and3A_517] masked %lt3A_76 : memref<2512x16xf32, #tpu.memory_space<vmem>>[vector<16xi32>, vector<16xi32>], vector<16xf32>, vector<16xi1>
      tpu.vector_store_idx %arg10[%select_n3A_451, %and3A_517], %gather3A_523 masked %lt3A_76 {add = true} : memref<1024x16xf32, #tpu.memory_space<vmem>>[vector<16xi32>, vector<16xi32>], vector<16xf32>, vector<16xi1>
      %add3A_524 = arith.constant 6 : i32
      %add3A_525 = vector.broadcast %add3A_524 : i32 to vector<16xi32>
      %add3A_526 = arith.addi %iota3A, %add3A_525 : vector<16xi32>
      %and3A_527 = arith.constant 15 : i32
      %and3A_528 = vector.broadcast %and3A_527 : i32 to vector<16xi32>
      %and3A_529 = arith.andi %add3A_526, %and3A_528 : vector<16xi32>
      %gather3A_530 = arith.constant 1 : i32
      %gather3A_531 = arith.constant 0 : i32
      %gather3A_532 = arith.constant 0 : i32
      %gather3A_533 = tpu.memref_slice %arg8[%gather3A_530, %gather3A_531, %gather3A_532] : memref<2x2512x16xf32, #tpu.memory_space<vmem>> -> memref<1x2512x16xf32, #tpu.memory_space<vmem>>
      %gather3A_534 = tpu.memref_squeeze %gather3A_533 : memref<1x2512x16xf32, #tpu.memory_space<vmem>> -> memref<2512x16xf32, #tpu.memory_space<vmem>>
      %gather3A_535 = tpu.vector_load_idx %gather3A_534[%add3A_444, %and3A_529] masked %lt3A_76 : memref<2512x16xf32, #tpu.memory_space<vmem>>[vector<16xi32>, vector<16xi32>], vector<16xf32>, vector<16xi1>
      tpu.vector_store_idx %arg10[%select_n3A_451, %and3A_529], %gather3A_535 masked %lt3A_76 {add = true} : memref<1024x16xf32, #tpu.memory_space<vmem>>[vector<16xi32>, vector<16xi32>], vector<16xf32>, vector<16xi1>
      %add3A_536 = arith.constant 7 : i32
      %add3A_537 = vector.broadcast %add3A_536 : i32 to vector<16xi32>
      %add3A_538 = arith.addi %iota3A, %add3A_537 : vector<16xi32>
      %and3A_539 = arith.constant 15 : i32
      %and3A_540 = vector.broadcast %and3A_539 : i32 to vector<16xi32>
      %and3A_541 = arith.andi %add3A_538, %and3A_540 : vector<16xi32>
      %gather3A_542 = arith.constant 1 : i32
      %gather3A_543 = arith.constant 0 : i32
      %gather3A_544 = arith.constant 0 : i32
      %gather3A_545 = tpu.memref_slice %arg8[%gather3A_542, %gather3A_543, %gather3A_544] : memref<2x2512x16xf32, #tpu.memory_space<vmem>> -> memref<1x2512x16xf32, #tpu.memory_space<vmem>>
      %gather3A_546 = tpu.memref_squeeze %gather3A_545 : memref<1x2512x16xf32, #tpu.memory_space<vmem>> -> memref<2512x16xf32, #tpu.memory_space<vmem>>
      %gather3A_547 = tpu.vector_load_idx %gather3A_546[%add3A_444, %and3A_541] masked %lt3A_76 : memref<2512x16xf32, #tpu.memory_space<vmem>>[vector<16xi32>, vector<16xi32>], vector<16xf32>, vector<16xi1>
      tpu.vector_store_idx %arg10[%select_n3A_451, %and3A_541], %gather3A_547 masked %lt3A_76 {add = true} : memref<1024x16xf32, #tpu.memory_space<vmem>>[vector<16xi32>, vector<16xi32>], vector<16xf32>, vector<16xi1>
      %add3A_548 = arith.constant 8 : i32
      %add3A_549 = vector.broadcast %add3A_548 : i32 to vector<16xi32>
      %add3A_550 = arith.addi %iota3A, %add3A_549 : vector<16xi32>
      %and3A_551 = arith.constant 15 : i32
      %and3A_552 = vector.broadcast %and3A_551 : i32 to vector<16xi32>
      %and3A_553 = arith.andi %add3A_550, %and3A_552 : vector<16xi32>
      %gather3A_554 = arith.constant 1 : i32
      %gather3A_555 = arith.constant 0 : i32
      %gather3A_556 = arith.constant 0 : i32
      %gather3A_557 = tpu.memref_slice %arg8[%gather3A_554, %gather3A_555, %gather3A_556] : memref<2x2512x16xf32, #tpu.memory_space<vmem>> -> memref<1x2512x16xf32, #tpu.memory_space<vmem>>
      %gather3A_558 = tpu.memref_squeeze %gather3A_557 : memref<1x2512x16xf32, #tpu.memory_space<vmem>> -> memref<2512x16xf32, #tpu.memory_space<vmem>>
      %gather3A_559 = tpu.vector_load_idx %gather3A_558[%add3A_444, %and3A_553] masked %lt3A_76 : memref<2512x16xf32, #tpu.memory_space<vmem>>[vector<16xi32>, vector<16xi32>], vector<16xf32>, vector<16xi1>
      tpu.vector_store_idx %arg10[%select_n3A_451, %and3A_553], %gather3A_559 masked %lt3A_76 {add = true} : memref<1024x16xf32, #tpu.memory_space<vmem>>[vector<16xi32>, vector<16xi32>], vector<16xf32>, vector<16xi1>
      %add3A_560 = arith.constant 9 : i32
      %add3A_561 = vector.broadcast %add3A_560 : i32 to vector<16xi32>
      %add3A_562 = arith.addi %iota3A, %add3A_561 : vector<16xi32>
      %and3A_563 = arith.constant 15 : i32
      %and3A_564 = vector.broadcast %and3A_563 : i32 to vector<16xi32>
      %and3A_565 = arith.andi %add3A_562, %and3A_564 : vector<16xi32>
      %gather3A_566 = arith.constant 1 : i32
      %gather3A_567 = arith.constant 0 : i32
      %gather3A_568 = arith.constant 0 : i32
      %gather3A_569 = tpu.memref_slice %arg8[%gather3A_566, %gather3A_567, %gather3A_568] : memref<2x2512x16xf32, #tpu.memory_space<vmem>> -> memref<1x2512x16xf32, #tpu.memory_space<vmem>>
      %gather3A_570 = tpu.memref_squeeze %gather3A_569 : memref<1x2512x16xf32, #tpu.memory_space<vmem>> -> memref<2512x16xf32, #tpu.memory_space<vmem>>
      %gather3A_571 = tpu.vector_load_idx %gather3A_570[%add3A_444, %and3A_565] masked %lt3A_76 : memref<2512x16xf32, #tpu.memory_space<vmem>>[vector<16xi32>, vector<16xi32>], vector<16xf32>, vector<16xi1>
      tpu.vector_store_idx %arg10[%select_n3A_451, %and3A_565], %gather3A_571 masked %lt3A_76 {add = true} : memref<1024x16xf32, #tpu.memory_space<vmem>>[vector<16xi32>, vector<16xi32>], vector<16xf32>, vector<16xi1>
      %add3A_572 = arith.constant 10 : i32
      %add3A_573 = vector.broadcast %add3A_572 : i32 to vector<16xi32>
      %add3A_574 = arith.addi %iota3A, %add3A_573 : vector<16xi32>
      %and3A_575 = arith.constant 15 : i32
      %and3A_576 = vector.broadcast %and3A_575 : i32 to vector<16xi32>
      %and3A_577 = arith.andi %add3A_574, %and3A_576 : vector<16xi32>
      %gather3A_578 = arith.constant 1 : i32
      %gather3A_579 = arith.constant 0 : i32
      %gather3A_580 = arith.constant 0 : i32
      %gather3A_581 = tpu.memref_slice %arg8[%gather3A_578, %gather3A_579, %gather3A_580] : memref<2x2512x16xf32, #tpu.memory_space<vmem>> -> memref<1x2512x16xf32, #tpu.memory_space<vmem>>
      %gather3A_582 = tpu.memref_squeeze %gather3A_581 : memref<1x2512x16xf32, #tpu.memory_space<vmem>> -> memref<2512x16xf32, #tpu.memory_space<vmem>>
      %gather3A_583 = tpu.vector_load_idx %gather3A_582[%add3A_444, %and3A_577] masked %lt3A_76 : memref<2512x16xf32, #tpu.memory_space<vmem>>[vector<16xi32>, vector<16xi32>], vector<16xf32>, vector<16xi1>
      tpu.vector_store_idx %arg10[%select_n3A_451, %and3A_577], %gather3A_583 masked %lt3A_76 {add = true} : memref<1024x16xf32, #tpu.memory_space<vmem>>[vector<16xi32>, vector<16xi32>], vector<16xf32>, vector<16xi1>
      %add3A_584 = arith.constant 11 : i32
      %add3A_585 = vector.broadcast %add3A_584 : i32 to vector<16xi32>
      %add3A_586 = arith.addi %iota3A, %add3A_585 : vector<16xi32>
      %and3A_587 = arith.constant 15 : i32
      %and3A_588 = vector.broadcast %and3A_587 : i32 to vector<16xi32>
      %and3A_589 = arith.andi %add3A_586, %and3A_588 : vector<16xi32>
      %gather3A_590 = arith.constant 1 : i32
      %gather3A_591 = arith.constant 0 : i32
      %gather3A_592 = arith.constant 0 : i32
      %gather3A_593 = tpu.memref_slice %arg8[%gather3A_590, %gather3A_591, %gather3A_592] : memref<2x2512x16xf32, #tpu.memory_space<vmem>> -> memref<1x2512x16xf32, #tpu.memory_space<vmem>>
      %gather3A_594 = tpu.memref_squeeze %gather3A_593 : memref<1x2512x16xf32, #tpu.memory_space<vmem>> -> memref<2512x16xf32, #tpu.memory_space<vmem>>
      %gather3A_595 = tpu.vector_load_idx %gather3A_594[%add3A_444, %and3A_589] masked %lt3A_76 : memref<2512x16xf32, #tpu.memory_space<vmem>>[vector<16xi32>, vector<16xi32>], vector<16xf32>, vector<16xi1>
      tpu.vector_store_idx %arg10[%select_n3A_451, %and3A_589], %gather3A_595 masked %lt3A_76 {add = true} : memref<1024x16xf32, #tpu.memory_space<vmem>>[vector<16xi32>, vector<16xi32>], vector<16xf32>, vector<16xi1>
      %add3A_596 = arith.constant 12 : i32
      %add3A_597 = vector.broadcast %add3A_596 : i32 to vector<16xi32>
      %add3A_598 = arith.addi %iota3A, %add3A_597 : vector<16xi32>
      %and3A_599 = arith.constant 15 : i32
      %and3A_600 = vector.broadcast %and3A_599 : i32 to vector<16xi32>
      %and3A_601 = arith.andi %add3A_598, %and3A_600 : vector<16xi32>
      %gather3A_602 = arith.constant 1 : i32
      %gather3A_603 = arith.constant 0 : i32
      %gather3A_604 = arith.constant 0 : i32
      %gather3A_605 = tpu.memref_slice %arg8[%gather3A_602, %gather3A_603, %gather3A_604] : memref<2x2512x16xf32, #tpu.memory_space<vmem>> -> memref<1x2512x16xf32, #tpu.memory_space<vmem>>
      %gather3A_606 = tpu.memref_squeeze %gather3A_605 : memref<1x2512x16xf32, #tpu.memory_space<vmem>> -> memref<2512x16xf32, #tpu.memory_space<vmem>>
      %gather3A_607 = tpu.vector_load_idx %gather3A_606[%add3A_444, %and3A_601] masked %lt3A_76 : memref<2512x16xf32, #tpu.memory_space<vmem>>[vector<16xi32>, vector<16xi32>], vector<16xf32>, vector<16xi1>
      tpu.vector_store_idx %arg10[%select_n3A_451, %and3A_601], %gather3A_607 masked %lt3A_76 {add = true} : memref<1024x16xf32, #tpu.memory_space<vmem>>[vector<16xi32>, vector<16xi32>], vector<16xf32>, vector<16xi1>
      %add3A_608 = arith.constant 13 : i32
      %add3A_609 = vector.broadcast %add3A_608 : i32 to vector<16xi32>
      %add3A_610 = arith.addi %iota3A, %add3A_609 : vector<16xi32>
      %and3A_611 = arith.constant 15 : i32
      %and3A_612 = vector.broadcast %and3A_611 : i32 to vector<16xi32>
      %and3A_613 = arith.andi %add3A_610, %and3A_612 : vector<16xi32>
      %gather3A_614 = arith.constant 1 : i32
      %gather3A_615 = arith.constant 0 : i32
      %gather3A_616 = arith.constant 0 : i32
      %gather3A_617 = tpu.memref_slice %arg8[%gather3A_614, %gather3A_615, %gather3A_616] : memref<2x2512x16xf32, #tpu.memory_space<vmem>> -> memref<1x2512x16xf32, #tpu.memory_space<vmem>>
      %gather3A_618 = tpu.memref_squeeze %gather3A_617 : memref<1x2512x16xf32, #tpu.memory_space<vmem>> -> memref<2512x16xf32, #tpu.memory_space<vmem>>
      %gather3A_619 = tpu.vector_load_idx %gather3A_618[%add3A_444, %and3A_613] masked %lt3A_76 : memref<2512x16xf32, #tpu.memory_space<vmem>>[vector<16xi32>, vector<16xi32>], vector<16xf32>, vector<16xi1>
      tpu.vector_store_idx %arg10[%select_n3A_451, %and3A_613], %gather3A_619 masked %lt3A_76 {add = true} : memref<1024x16xf32, #tpu.memory_space<vmem>>[vector<16xi32>, vector<16xi32>], vector<16xf32>, vector<16xi1>
      %add3A_620 = arith.constant 14 : i32
      %add3A_621 = vector.broadcast %add3A_620 : i32 to vector<16xi32>
      %add3A_622 = arith.addi %iota3A, %add3A_621 : vector<16xi32>
      %and3A_623 = arith.constant 15 : i32
      %and3A_624 = vector.broadcast %and3A_623 : i32 to vector<16xi32>
      %and3A_625 = arith.andi %add3A_622, %and3A_624 : vector<16xi32>
      %gather3A_626 = arith.constant 1 : i32
      %gather3A_627 = arith.constant 0 : i32
      %gather3A_628 = arith.constant 0 : i32
      %gather3A_629 = tpu.memref_slice %arg8[%gather3A_626, %gather3A_627, %gather3A_628] : memref<2x2512x16xf32, #tpu.memory_space<vmem>> -> memref<1x2512x16xf32, #tpu.memory_space<vmem>>
      %gather3A_630 = tpu.memref_squeeze %gather3A_629 : memref<1x2512x16xf32, #tpu.memory_space<vmem>> -> memref<2512x16xf32, #tpu.memory_space<vmem>>
      %gather3A_631 = tpu.vector_load_idx %gather3A_630[%add3A_444, %and3A_625] masked %lt3A_76 : memref<2512x16xf32, #tpu.memory_space<vmem>>[vector<16xi32>, vector<16xi32>], vector<16xf32>, vector<16xi1>
      tpu.vector_store_idx %arg10[%select_n3A_451, %and3A_625], %gather3A_631 masked %lt3A_76 {add = true} : memref<1024x16xf32, #tpu.memory_space<vmem>>[vector<16xi32>, vector<16xi32>], vector<16xf32>, vector<16xi1>
      %add3A_632 = arith.constant 15 : i32
      %add3A_633 = vector.broadcast %add3A_632 : i32 to vector<16xi32>
      %add3A_634 = arith.addi %iota3A, %add3A_633 : vector<16xi32>
      %and3A_635 = arith.constant 15 : i32
      %and3A_636 = vector.broadcast %and3A_635 : i32 to vector<16xi32>
      %and3A_637 = arith.andi %add3A_634, %and3A_636 : vector<16xi32>
      %gather3A_638 = arith.constant 1 : i32
      %gather3A_639 = arith.constant 0 : i32
      %gather3A_640 = arith.constant 0 : i32
      %gather3A_641 = tpu.memref_slice %arg8[%gather3A_638, %gather3A_639, %gather3A_640] : memref<2x2512x16xf32, #tpu.memory_space<vmem>> -> memref<1x2512x16xf32, #tpu.memory_space<vmem>>
      %gather3A_642 = tpu.memref_squeeze %gather3A_641 : memref<1x2512x16xf32, #tpu.memory_space<vmem>> -> memref<2512x16xf32, #tpu.memory_space<vmem>>
      %gather3A_643 = tpu.vector_load_idx %gather3A_642[%add3A_444, %and3A_637] masked %lt3A_76 : memref<2512x16xf32, #tpu.memory_space<vmem>>[vector<16xi32>, vector<16xi32>], vector<16xf32>, vector<16xi1>
      tpu.vector_store_idx %arg10[%select_n3A_451, %and3A_637], %gather3A_643 masked %lt3A_76 {add = true} : memref<1024x16xf32, #tpu.memory_space<vmem>>[vector<16xi32>, vector<16xi32>], vector<16xf32>, vector<16xi1>
      %eq3A_644 = arith.constant 0 : i32
      %eq3A_645 = arith.cmpi eq, %rem3A_18, %eq3A_644 : i32
      %convert_element_type3A_646 = arith.extui %eq3A_645 : i1 to i32
      %cond3A_647 = arith.constant 0 : i32
      %cond3A_648 = arith.cmpi ne, %convert_element_type3A_646, %cond3A_647 : i32
      scf.if %cond3A_648 {
        tpu.vector_store_idx %arg11[%select_n3A_451], %broadcast_in_dim3A_74 masked %lt3A_76 {add = true} : memref<1024xf32, #tpu.memory_space<vmem>>[vector<16xi32>], vector<16xf32>, vector<16xi1>
      } else {
      }
      %lt3A_649 = arith.constant 4 : i32
      %lt3A_650 = arith.cmpi slt, %scan3A_184, %lt3A_649 : i32
      %convert_element_type3A_651 = arith.extui %lt3A_650 : i1 to i32
      %cond3A_652 = arith.constant 0 : i32
      %cond3A_653 = arith.cmpi ne, %convert_element_type3A_651, %cond3A_652 : i32
      scf.if %cond3A_653 {
        %add3A_654 = arith.constant 2 : i32
        %add3A_655 = arith.addi %add3A_421, %add3A_654 : i32
        %mul3A_656 = arith.constant 2500 : i32
        %mul3A_657 = arith.muli %add3A_655, %mul3A_656 : i32
        %add3A_658 = arith.addi %mul3A_20, %mul3A_657 : i32
        %dma_start3A_659 = arith.constant 1 : i32
        %dma_start3A_660 = arith.constant 0 : i32
        %dma_start3A_661 = arith.constant 0 : i32
        %dma_start3A_662 = tpu.memref_slice %arg8[%dma_start3A_659, %dma_start3A_660, %dma_start3A_661] : memref<2x2512x16xf32, #tpu.memory_space<vmem>> -> memref<1x2500x16xf32, #tpu.memory_space<vmem>>
        %dma_start3A_663 = tpu.memref_squeeze %dma_start3A_662 : memref<1x2500x16xf32, #tpu.memory_space<vmem>> -> memref<2500x16xf32, #tpu.memory_space<vmem>>
        %dma_start3A_664 = tpu.memref_slice %arg2[%add3A_658, %mul3A_22] : memref<100000x128xf32, #tpu.memory_space<hbm>> -> memref<2500x16xf32, #tpu.memory_space<hbm>>
        %dma_start3A_665 = arith.constant 0 : i32
        %dma_start3A_666 = arith.constant 0 : i32
        %dma_start3A_667 = tpu.memref_slice %arg8[%dma_start3A_659, %dma_start3A_665, %dma_start3A_666] : memref<2x2512x16xf32, #tpu.memory_space<vmem>> -> memref<1x2500x16xf32, #tpu.memory_space<vmem>>
        %dma_start3A_668 = tpu.memref_squeeze %dma_start3A_667 : memref<1x2500x16xf32, #tpu.memory_space<vmem>> -> memref<2500x16xf32, #tpu.memory_space<vmem>>
        %dma_start3A_669 = tpu.memref_slice %arg2[%add3A_658, %mul3A_22] : memref<100000x128xf32, #tpu.memory_space<hbm>> -> memref<2500x16xf32, #tpu.memory_space<hbm>>
        tpu.enqueue_dma source(%dma_start3A_669 : memref<2500x16xf32, #tpu.memory_space<hbm>>) target(%dma_start3A_668 : memref<2500x16xf32, #tpu.memory_space<vmem>>) target_semaphore(%arg16 : memref<!tpu.dma_semaphore, #tpu.memory_space<semaphore_mem>>)
      } else {
      }
    }
    %scan3A_178 = arith.constant 5 : i32
    "tpu.region"() ({
      %run_scoped3A = tpu.sem_alloc : memref<!tpu.dma_semaphore, #tpu.memory_space<semaphore_mem>>
      %dma_start3A_184 = arith.constant 0 : i32
      %dma_start3A_185 = tpu.memref_slice %arg5[%select_n3A, %dma_start3A_184, %mul3A_22] : memref<4x1024x128xf32, #tpu.memory_space<hbm>> -> memref<1x1024x16xf32, #tpu.memory_space<hbm>>
      %dma_start3A_186 = tpu.memref_squeeze %dma_start3A_185 : memref<1x1024x16xf32, #tpu.memory_space<hbm>> -> memref<1024x16xf32, #tpu.memory_space<hbm>>
      %dma_start3A_187 = arith.constant 0 : i32
      %dma_start3A_188 = tpu.memref_slice %arg5[%select_n3A, %dma_start3A_187, %mul3A_22] : memref<4x1024x128xf32, #tpu.memory_space<hbm>> -> memref<1x1024x16xf32, #tpu.memory_space<hbm>>
      %dma_start3A_189 = tpu.memref_squeeze %dma_start3A_188 : memref<1x1024x16xf32, #tpu.memory_space<hbm>> -> memref<1024x16xf32, #tpu.memory_space<hbm>>
      tpu.enqueue_dma source(%arg10 : memref<1024x16xf32, #tpu.memory_space<vmem>>) target(%dma_start3A_189 : memref<1024x16xf32, #tpu.memory_space<hbm>>) target_semaphore(%run_scoped3A : memref<!tpu.dma_semaphore, #tpu.memory_space<semaphore_mem>>)
      %dma_wait3A_190 = arith.constant 0 : i32
      %dma_wait3A_191 = tpu.memref_slice %arg5[%select_n3A, %dma_wait3A_190, %mul3A_22] : memref<4x1024x128xf32, #tpu.memory_space<hbm>> -> memref<1x1024x16xf32, #tpu.memory_space<hbm>>
      %dma_wait3A_192 = tpu.memref_squeeze %dma_wait3A_191 : memref<1x1024x16xf32, #tpu.memory_space<hbm>> -> memref<1024x16xf32, #tpu.memory_space<hbm>>
      %dma_wait3A_193 = arith.constant 0 : i32
      %dma_wait3A_194 = tpu.memref_slice %arg5[%select_n3A, %dma_wait3A_193, %mul3A_22] : memref<4x1024x128xf32, #tpu.memory_space<hbm>> -> memref<1x1024x16xf32, #tpu.memory_space<hbm>>
      %dma_wait3A_195 = tpu.memref_squeeze %dma_wait3A_194 : memref<1x1024x16xf32, #tpu.memory_space<hbm>> -> memref<1024x16xf32, #tpu.memory_space<hbm>>
      tpu.wait_dma2 semaphore(%run_scoped3A : memref<!tpu.dma_semaphore, #tpu.memory_space<semaphore_mem>>) src(%arg10 : memref<1024x16xf32, #tpu.memory_space<vmem>>) dst(%dma_wait3A_195 : memref<1024x16xf32, #tpu.memory_space<hbm>>)
      tpu.yield
    }) : () -> ()
    %eq3A_179 = arith.constant 0 : i32
    %eq3A_180 = arith.cmpi eq, %rem3A_18, %eq3A_179 : i32
    %convert_element_type3A_181 = arith.extui %eq3A_180 : i1 to i32
    %cond3A_182 = arith.constant 0 : i32
    %cond3A_183 = arith.cmpi ne, %convert_element_type3A_181, %cond3A_182 : i32
    scf.if %cond3A_183 {
      "tpu.region"() ({
        %run_scoped3A = tpu.sem_alloc : memref<!tpu.dma_semaphore, #tpu.memory_space<semaphore_mem>>
        %dma_start3A_184 = arith.constant 0 : i32
        %dma_start3A_185 = tpu.memref_slice %arg6[%select_n3A, %dma_start3A_184] : memref<4x1024xf32, #tpu.memory_space<hbm>> -> memref<1x1024xf32, #tpu.memory_space<hbm>>
        %dma_start3A_186 = tpu.memref_squeeze %dma_start3A_185 : memref<1x1024xf32, #tpu.memory_space<hbm>> -> memref<1024xf32, #tpu.memory_space<hbm>>
        %dma_start3A_187 = arith.constant 0 : i32
        %dma_start3A_188 = tpu.memref_slice %arg6[%select_n3A, %dma_start3A_187] : memref<4x1024xf32, #tpu.memory_space<hbm>> -> memref<1x1024xf32, #tpu.memory_space<hbm>>
        %dma_start3A_189 = tpu.memref_squeeze %dma_start3A_188 : memref<1x1024xf32, #tpu.memory_space<hbm>> -> memref<1024xf32, #tpu.memory_space<hbm>>
        tpu.enqueue_dma source(%arg11 : memref<1024xf32, #tpu.memory_space<vmem>>) target(%dma_start3A_189 : memref<1024xf32, #tpu.memory_space<hbm>>) target_semaphore(%run_scoped3A : memref<!tpu.dma_semaphore, #tpu.memory_space<semaphore_mem>>)
        %dma_wait3A_190 = arith.constant 0 : i32
        %dma_wait3A_191 = tpu.memref_slice %arg6[%select_n3A, %dma_wait3A_190] : memref<4x1024xf32, #tpu.memory_space<hbm>> -> memref<1x1024xf32, #tpu.memory_space<hbm>>
        %dma_wait3A_192 = tpu.memref_squeeze %dma_wait3A_191 : memref<1x1024xf32, #tpu.memory_space<hbm>> -> memref<1024xf32, #tpu.memory_space<hbm>>
        %dma_wait3A_193 = arith.constant 0 : i32
        %dma_wait3A_194 = tpu.memref_slice %arg6[%select_n3A, %dma_wait3A_193] : memref<4x1024xf32, #tpu.memory_space<hbm>> -> memref<1x1024xf32, #tpu.memory_space<hbm>>
        %dma_wait3A_195 = tpu.memref_squeeze %dma_wait3A_194 : memref<1x1024xf32, #tpu.memory_space<hbm>> -> memref<1024xf32, #tpu.memory_space<hbm>>
        tpu.wait_dma2 semaphore(%run_scoped3A : memref<!tpu.dma_semaphore, #tpu.memory_space<semaphore_mem>>) src(%arg11 : memref<1024xf32, #tpu.memory_space<vmem>>) dst(%dma_wait3A_195 : memref<1024xf32, #tpu.memory_space<hbm>>)
        tpu.yield
      }) : () -> ()
    } else {
    }
    return
  }
}

module attributes {stable_mosaic.version = 14 : i64} {
  func.func @_tc_body(%arg0: memref<128x128xf32, #tpu.memory_space<vmem>>, %arg1: memref<128x128xf32, #tpu.memory_space<vmem>>, %arg2: memref<128x128xf32, #tpu.memory_space<vmem>>, %arg3: memref<4x1024x128xf32, #tpu.memory_space<vmem>>, %arg4: memref<4x1024xf32, #tpu.memory_space<vmem>>, %arg5: memref<128x1xi32, #tpu.memory_space<vmem>>, %arg6: memref<1x128xi32, #tpu.memory_space<vmem>>, %arg7: memref<1x128xf32, #tpu.memory_space<vmem>>) attributes {dimension_semantics = [], scalar_prefetch = 0 : i64, scratch_operands = 0 : i64, tpu.core_type = #tpu.core_type<tc>} {
    %get3A = arith.constant 0 : index
    %get3A_0 = arith.constant 0 : index
    %get3A_1 = vector.load %arg0[%get3A, %get3A_0] : memref<128x128xf32, #tpu.memory_space<vmem>>, vector<128x128xf32>
    %mul3A = arith.mulf %get3A_1, %get3A_1 : vector<128x128xf32>
    %reduce_sum3A = arith.constant dense<0.000000e+00> : vector<128xf32>
    %reduce_sum3A_2 = vector.multi_reduction <add>, %mul3A, %reduce_sum3A [1] : vector<128x128xf32> to vector<128xf32>
    %broadcast_in_dim3A = vector.shape_cast %reduce_sum3A_2 : vector<128xf32> to vector<128x1xf32>
    %sqrt3A = math.sqrt %broadcast_in_dim3A : vector<128x1xf32>
    %max3A = arith.constant 9.99999996E-13 : f32
    %max3A_3 = vector.broadcast %max3A : f32 to vector<128x1xf32>
    %max3A_4 = arith.maximumf %sqrt3A, %max3A_3 : vector<128x1xf32>
    %div3A = vector.broadcast %max3A_4 : vector<128x1xf32> to vector<128x128xf32>
    %div3A_5 = arith.divf %get3A_1, %div3A : vector<128x128xf32>
    %get3A_6 = arith.constant 0 : index
    %get3A_7 = arith.constant 0 : index
    %get3A_8 = vector.load %arg1[%get3A_6, %get3A_7] : memref<128x128xf32, #tpu.memory_space<vmem>>, vector<128x128xf32>
    %mul3A_9 = arith.mulf %get3A_8, %get3A_8 : vector<128x128xf32>
    %reduce_sum3A_10 = arith.constant dense<0.000000e+00> : vector<128xf32>
    %reduce_sum3A_11 = vector.multi_reduction <add>, %mul3A_9, %reduce_sum3A_10 [1] : vector<128x128xf32> to vector<128xf32>
    %broadcast_in_dim3A_12 = vector.shape_cast %reduce_sum3A_11 : vector<128xf32> to vector<128x1xf32>
    %sqrt3A_13 = math.sqrt %broadcast_in_dim3A_12 : vector<128x1xf32>
    %max3A_14 = arith.constant 9.99999996E-13 : f32
    %max3A_15 = vector.broadcast %max3A_14 : f32 to vector<128x1xf32>
    %max3A_16 = arith.maximumf %sqrt3A_13, %max3A_15 : vector<128x1xf32>
    %div3A_17 = vector.broadcast %max3A_16 : vector<128x1xf32> to vector<128x128xf32>
    %div3A_18 = arith.divf %get3A_8, %div3A_17 : vector<128x128xf32>
    %get3A_19 = arith.constant 0 : index
    %get3A_20 = arith.constant 0 : index
    %get3A_21 = vector.load %arg2[%get3A_19, %get3A_20] : memref<128x128xf32, #tpu.memory_space<vmem>>, vector<128x128xf32>
    %mul3A_22 = arith.mulf %get3A_21, %get3A_21 : vector<128x128xf32>
    %reduce_sum3A_23 = arith.constant dense<0.000000e+00> : vector<128xf32>
    %reduce_sum3A_24 = vector.multi_reduction <add>, %mul3A_22, %reduce_sum3A_23 [1] : vector<128x128xf32> to vector<128xf32>
    %broadcast_in_dim3A_25 = vector.shape_cast %reduce_sum3A_24 : vector<128xf32> to vector<128x1xf32>
    %sqrt3A_26 = math.sqrt %broadcast_in_dim3A_25 : vector<128x1xf32>
    %max3A_27 = arith.constant 9.99999996E-13 : f32
    %max3A_28 = vector.broadcast %max3A_27 : f32 to vector<128x1xf32>
    %max3A_29 = arith.maximumf %sqrt3A_26, %max3A_28 : vector<128x1xf32>
    %div3A_30 = vector.broadcast %max3A_29 : vector<128x1xf32> to vector<128x128xf32>
    %div3A_31 = arith.divf %get3A_21, %div3A_30 : vector<128x128xf32>
    %dot_general3A = arith.constant dense<0.000000e+00> : vector<128x128xf32>
    %dot_general3A_32 = tpu.matmul %div3A_5, %div3A_5, %dot_general3A {dimension_numbers = #tpu.dot_dimension_numbers<[1], [1], [0], [0], [0, 0, 1, 0], [], []>, precision = #tpu.contract_precision<fp32>, transpose_lhs_hint = false} : vector<128x128xf32>, vector<128x128xf32>, vector<128x128xf32> -> vector<128x128xf32>
    %mul3A_33 = arith.constant 2.000000e+01 : f32
    %mul3A_34 = vector.broadcast %mul3A_33 : f32 to vector<128x128xf32>
    %mul3A_35 = arith.mulf %dot_general3A_32, %mul3A_34 : vector<128x128xf32>
    %dot_general3A_36 = arith.constant dense<0.000000e+00> : vector<128x128xf32>
    %dot_general3A_37 = tpu.matmul %div3A_5, %div3A_18, %dot_general3A_36 {dimension_numbers = #tpu.dot_dimension_numbers<[1], [1], [0], [0], [0, 0, 1, 0], [], []>, precision = #tpu.contract_precision<fp32>, transpose_lhs_hint = false} : vector<128x128xf32>, vector<128x128xf32>, vector<128x128xf32> -> vector<128x128xf32>
    %mul3A_38 = arith.constant 2.000000e+01 : f32
    %mul3A_39 = vector.broadcast %mul3A_38 : f32 to vector<128x128xf32>
    %mul3A_40 = arith.mulf %dot_general3A_37, %mul3A_39 : vector<128x128xf32>
    %dot_general3A_41 = arith.constant dense<0.000000e+00> : vector<128x128xf32>
    %dot_general3A_42 = tpu.matmul %div3A_5, %div3A_31, %dot_general3A_41 {dimension_numbers = #tpu.dot_dimension_numbers<[1], [1], [0], [0], [0, 0, 1, 0], [], []>, precision = #tpu.contract_precision<fp32>, transpose_lhs_hint = false} : vector<128x128xf32>, vector<128x128xf32>, vector<128x128xf32> -> vector<128x128xf32>
    %mul3A_43 = arith.constant 2.000000e+01 : f32
    %mul3A_44 = vector.broadcast %mul3A_43 : f32 to vector<128x128xf32>
    %mul3A_45 = arith.mulf %dot_general3A_42, %mul3A_44 : vector<128x128xf32>
    %get3A_46 = arith.constant 0 : index
    %get3A_47 = arith.constant 0 : index
    %get3A_48 = arith.constant 0 : index
    %get3A_49 = vector.load %arg3[%get3A_46, %get3A_47, %get3A_48] : memref<4x1024x128xf32, #tpu.memory_space<vmem>>, vector<4x1024x128xf32>
    %reduce_sum3A_50 = arith.constant dense<0.000000e+00> : vector<1024x128xf32>
    %reduce_sum3A_51 = vector.multi_reduction <add>, %get3A_49, %reduce_sum3A_50 [0] : vector<4x1024x128xf32> to vector<1024x128xf32>
    %get3A_52 = arith.constant 0 : index
    %get3A_53 = arith.constant 0 : index
    %get3A_54 = vector.load %arg4[%get3A_52, %get3A_53] : memref<4x1024xf32, #tpu.memory_space<vmem>>, vector<4x1024xf32>
    %reduce_sum3A_55 = arith.constant dense<0.000000e+00> : vector<1024xf32>
    %reduce_sum3A_56 = vector.multi_reduction <add>, %get3A_54, %reduce_sum3A_55 [0] : vector<4x1024xf32> to vector<1024xf32>
    %broadcast_in_dim3A_57 = vector.shape_cast %reduce_sum3A_56 : vector<1024xf32> to vector<1x1024xf32>
    %gt3A = arith.constant 0.000000e+00 : f32
    %gt3A_58 = vector.broadcast %gt3A : f32 to vector<1x1024xf32>
    %gt3A_59 = arith.cmpf ogt, %broadcast_in_dim3A_57, %gt3A_58 : vector<1x1024xf32>
    %convert_element_type3A = arith.extui %gt3A_59 : vector<1x1024xi1> to vector<1x1024xi32>
    %convert_element_type3A_60 = arith.sitofp %convert_element_type3A : vector<1x1024xi32> to vector<1x1024xf32>
    %dot_general3A_61 = arith.constant dense<0.000000e+00> : vector<128x1024xf32>
    %dot_general3A_62 = tpu.matmul %div3A_31, %reduce_sum3A_51, %dot_general3A_61 {dimension_numbers = #tpu.dot_dimension_numbers<[1], [1], [0], [0], [0, 0, 1, 0], [], []>, precision = #tpu.contract_precision<fp32>, transpose_lhs_hint = false} : vector<128x128xf32>, vector<1024x128xf32>, vector<128x1024xf32> -> vector<128x1024xf32>
    %mul3A_63 = arith.constant 2.000000e+01 : f32
    %mul3A_64 = vector.broadcast %mul3A_63 : f32 to vector<128x1024xf32>
    %mul3A_65 = arith.mulf %dot_general3A_62, %mul3A_64 : vector<128x1024xf32>
    %mul3A_66 = arith.mulf %convert_element_type3A_60, %broadcast_in_dim3A_57 : vector<1x1024xf32>
    %sub3A = arith.constant 1.000000e+00 : f32
    %sub3A_67 = vector.broadcast %sub3A : f32 to vector<1x1024xf32>
    %sub3A_68 = arith.subf %sub3A_67, %convert_element_type3A_60 : vector<1x1024xf32>
    %add3A = arith.addf %mul3A_66, %sub3A_68 : vector<1x1024xf32>
    %div3A_69 = vector.broadcast %add3A : vector<1x1024xf32> to vector<128x1024xf32>
    %div3A_70 = arith.divf %mul3A_65, %div3A_69 : vector<128x1024xf32>
    %exp3A = math.exp %div3A_70 : vector<128x1024xf32>
    %mul3A_71 = vector.broadcast %convert_element_type3A_60 : vector<1x1024xf32> to vector<128x1024xf32>
    %mul3A_72 = arith.mulf %exp3A, %mul3A_71 : vector<128x1024xf32>
    %reduce_sum3A_73 = arith.constant dense<0.000000e+00> : vector<128xf32>
    %reduce_sum3A_74 = vector.multi_reduction <add>, %mul3A_72, %reduce_sum3A_73 [1] : vector<128x1024xf32> to vector<128xf32>
    %broadcast_in_dim3A_75 = vector.shape_cast %reduce_sum3A_74 : vector<128xf32> to vector<128x1xf32>
    %add3A_76 = arith.constant 9.99999997E-7 : f32
    %add3A_77 = vector.broadcast %add3A_76 : f32 to vector<128x1xf32>
    %add3A_78 = arith.addf %broadcast_in_dim3A_75, %add3A_77 : vector<128x1xf32>
    %div3A_79 = vector.broadcast %add3A_78 : vector<128x1xf32> to vector<128x1024xf32>
    %div3A_80 = arith.divf %mul3A_72, %div3A_79 : vector<128x1024xf32>
    %get3A_81 = arith.constant 0 : index
    %get3A_82 = arith.constant 0 : index
    %get3A_83 = vector.load %arg5[%get3A_81, %get3A_82] : memref<128x1xi32, #tpu.memory_space<vmem>>, vector<128x1xi32>
    %iota3A = tpu.iota {dimensions = array<i32: 1>} : vector<128x1024xi32>
    %eq3A = vector.broadcast %get3A_83 : vector<128x1xi32> to vector<128x1024xi32>
    %eq3A_84 = arith.cmpi eq, %iota3A, %eq3A : vector<128x1024xi32>
    %jit3A = arith.constant 0.000000e+00 : f32
    %broadcast_in_dim3A_85 = vector.broadcast %jit3A : f32 to vector<128x1024xf32>
    %select_n3A = arith.select %eq3A_84, %div3A_80, %broadcast_in_dim3A_85 : vector<128x1024xi1>, vector<128x1024xf32>
    %reduce_sum3A_86 = arith.constant dense<0.000000e+00> : vector<128xf32>
    %reduce_sum3A_87 = vector.multi_reduction <add>, %select_n3A, %reduce_sum3A_86 [1] : vector<128x1024xf32> to vector<128xf32>
    %broadcast_in_dim3A_88 = vector.shape_cast %reduce_sum3A_87 : vector<128xf32> to vector<128x1xf32>
    %add3A_89 = arith.constant 9.99999997E-7 : f32
    %add3A_90 = vector.broadcast %add3A_89 : f32 to vector<128x1xf32>
    %add3A_91 = arith.addf %broadcast_in_dim3A_88, %add3A_90 : vector<128x1xf32>
    %log3A = math.log %add3A_91 : vector<128x1xf32>
    %reduce_sum3A_92 = vector.shape_cast %log3A : vector<128x1xf32> to vector<1x128x1xf32>
    %reduce_sum3A_93 = arith.constant dense<0.000000e+00> : vector<1xf32>
    %reduce_sum3A_94 = vector.multi_reduction <add>, %reduce_sum3A_92, %reduce_sum3A_93 [1, 2] : vector<1x128x1xf32> to vector<1xf32>
    %reduce_sum3A_95 = vector.shape_cast %reduce_sum3A_94 : vector<1xf32> to vector<1x1x1xf32>
    %reduce_sum3A_96 = vector.extract %reduce_sum3A_95[0, 0, 0] : f32 from vector<1x1x1xf32>
    %div3A_97 = arith.constant 1.280000e+02 : f32
    %div3A_98 = arith.divf %reduce_sum3A_96, %div3A_97 : f32
    %neg3A = arith.constant 0.000000e+00 : f32
    %neg3A_99 = arith.subf %neg3A, %div3A_98 : f32
    %get3A_100 = arith.constant 0 : index
    %get3A_101 = arith.constant 0 : index
    %get3A_102 = vector.load %arg6[%get3A_100, %get3A_101] : memref<1x128xi32, #tpu.memory_space<vmem>>, vector<1x128xi32>
    %eq3A_103 = vector.broadcast %get3A_83 : vector<128x1xi32> to vector<128x128xi32>
    %eq3A_104 = vector.broadcast %get3A_102 : vector<1x128xi32> to vector<128x128xi32>
    %eq3A_105 = arith.cmpi eq, %eq3A_103, %eq3A_104 : vector<128x128xi32>
    %not3A = arith.constant dense<true> : vector<128x128xi1>
    %not3A_106 = arith.xori %eq3A_105, %not3A : vector<128x128xi1>
    %convert_element_type3A_107 = arith.extui %not3A_106 : vector<128x128xi1> to vector<128x128xi32>
    %convert_element_type3A_108 = arith.sitofp %convert_element_type3A_107 : vector<128x128xi32> to vector<128x128xf32>
    %exp3A_109 = math.exp %mul3A_35 : vector<128x128xf32>
    %exp3A_110 = math.exp %mul3A_40 : vector<128x128xf32>
    %exp3A_111 = math.exp %mul3A_45 : vector<128x128xf32>
    %reduce_sum3A_112 = arith.constant dense<0.000000e+00> : vector<128xf32>
    %reduce_sum3A_113 = vector.multi_reduction <add>, %exp3A_110, %reduce_sum3A_112 [1] : vector<128x128xf32> to vector<128xf32>
    %broadcast_in_dim3A_114 = vector.shape_cast %reduce_sum3A_113 : vector<128xf32> to vector<128x1xf32>
    %add3A_115 = arith.addf %exp3A_109, %exp3A_111 : vector<128x128xf32>
    %mul3A_116 = arith.mulf %convert_element_type3A_108, %add3A_115 : vector<128x128xf32>
    %reduce_sum3A_117 = arith.constant dense<0.000000e+00> : vector<128xf32>
    %reduce_sum3A_118 = vector.multi_reduction <add>, %mul3A_116, %reduce_sum3A_117 [1] : vector<128x128xf32> to vector<128xf32>
    %broadcast_in_dim3A_119 = vector.shape_cast %reduce_sum3A_118 : vector<128xf32> to vector<128x1xf32>
    %add3A_120 = arith.addf %broadcast_in_dim3A_119, %broadcast_in_dim3A_114 : vector<128x1xf32>
    %add3A_121 = arith.constant 9.99999997E-7 : f32
    %add3A_122 = vector.broadcast %add3A_121 : f32 to vector<128x1xf32>
    %add3A_123 = arith.addf %add3A_120, %add3A_122 : vector<128x1xf32>
    %add3A_124 = vector.broadcast %add3A_123 : vector<128x1xf32> to vector<128x128xf32>
    %add3A_125 = arith.addf %exp3A_109, %add3A_124 : vector<128x128xf32>
    %div3A_126 = arith.divf %exp3A_109, %add3A_125 : vector<128x128xf32>
    %add3A_127 = arith.constant 9.99999997E-7 : f32
    %add3A_128 = vector.broadcast %add3A_127 : f32 to vector<128x128xf32>
    %add3A_129 = arith.addf %div3A_126, %add3A_128 : vector<128x128xf32>
    %log3A_130 = math.log %add3A_129 : vector<128x128xf32>
    %neg3A_131 = arith.constant 0.000000e+00 : f32
    %neg3A_132 = vector.broadcast %neg3A_131 : f32 to vector<128x128xf32>
    %neg3A_133 = arith.subf %neg3A_132, %log3A_130 : vector<128x128xf32>
    %add3A_134 = vector.broadcast %add3A_123 : vector<128x1xf32> to vector<128x128xf32>
    %add3A_135 = arith.addf %exp3A_111, %add3A_134 : vector<128x128xf32>
    %div3A_136 = arith.divf %exp3A_111, %add3A_135 : vector<128x128xf32>
    %add3A_137 = arith.constant 9.99999997E-7 : f32
    %add3A_138 = vector.broadcast %add3A_137 : f32 to vector<128x128xf32>
    %add3A_139 = arith.addf %div3A_136, %add3A_138 : vector<128x128xf32>
    %log3A_140 = math.log %add3A_139 : vector<128x128xf32>
    %neg3A_141 = arith.constant 0.000000e+00 : f32
    %neg3A_142 = vector.broadcast %neg3A_141 : f32 to vector<128x128xf32>
    %neg3A_143 = arith.subf %neg3A_142, %log3A_140 : vector<128x128xf32>
    %add3A_144 = arith.addf %neg3A_133, %neg3A_143 : vector<128x128xf32>
    %jit3A_145 = arith.constant 0.000000e+00 : f32
    %broadcast_in_dim3A_146 = vector.broadcast %jit3A_145 : f32 to vector<128x128xf32>
    %select_n3A_147 = arith.select %eq3A_105, %add3A_144, %broadcast_in_dim3A_146 : vector<128x128xi1>, vector<128x128xf32>
    %reduce_sum3A_148 = vector.shape_cast %select_n3A_147 : vector<128x128xf32> to vector<1x128x128xf32>
    %reduce_sum3A_149 = arith.constant dense<0.000000e+00> : vector<1xf32>
    %reduce_sum3A_150 = vector.multi_reduction <add>, %reduce_sum3A_148, %reduce_sum3A_149 [1, 2] : vector<1x128x128xf32> to vector<1xf32>
    %reduce_sum3A_151 = vector.shape_cast %reduce_sum3A_150 : vector<1xf32> to vector<1x1x1xf32>
    %reduce_sum3A_152 = vector.extract %reduce_sum3A_151[0, 0, 0] : f32 from vector<1x1x1xf32>
    %div3A_153 = arith.constant 1.280000e+02 : f32
    %div3A_154 = arith.divf %reduce_sum3A_152, %div3A_153 : f32
    %mul3A_155 = arith.mulf %convert_element_type3A_108, %exp3A_110 : vector<128x128xf32>
    %reduce_sum3A_156 = arith.constant dense<0.000000e+00> : vector<128xf32>
    %reduce_sum3A_157 = vector.multi_reduction <add>, %mul3A_155, %reduce_sum3A_156 [1] : vector<128x128xf32> to vector<128xf32>
    %broadcast_in_dim3A_158 = vector.shape_cast %reduce_sum3A_157 : vector<128xf32> to vector<128x1xf32>
    %reduce_sum3A_159 = arith.constant dense<0.000000e+00> : vector<128xf32>
    %reduce_sum3A_160 = vector.multi_reduction <add>, %exp3A_111, %reduce_sum3A_159 [1] : vector<128x128xf32> to vector<128xf32>
    %broadcast_in_dim3A_161 = vector.shape_cast %reduce_sum3A_160 : vector<128xf32> to vector<128x1xf32>
    %add3A_162 = arith.addf %broadcast_in_dim3A_158, %broadcast_in_dim3A_161 : vector<128x1xf32>
    %reduce_sum3A_163 = arith.constant dense<0.000000e+00> : vector<128xf32>
    %reduce_sum3A_164 = vector.multi_reduction <add>, %exp3A_109, %reduce_sum3A_163 [1] : vector<128x128xf32> to vector<128xf32>
    %broadcast_in_dim3A_165 = vector.shape_cast %reduce_sum3A_164 : vector<128xf32> to vector<128x1xf32>
    %add3A_166 = arith.addf %add3A_162, %broadcast_in_dim3A_165 : vector<128x1xf32>
    %add3A_167 = arith.constant 9.99999997E-7 : f32
    %add3A_168 = vector.broadcast %add3A_167 : f32 to vector<128x1xf32>
    %add3A_169 = arith.addf %add3A_166, %add3A_168 : vector<128x1xf32>
    %add3A_170 = vector.broadcast %add3A_169 : vector<128x1xf32> to vector<128x128xf32>
    %add3A_171 = arith.addf %exp3A_110, %add3A_170 : vector<128x128xf32>
    %div3A_172 = arith.divf %exp3A_110, %add3A_171 : vector<128x128xf32>
    %add3A_173 = arith.constant 9.99999997E-7 : f32
    %add3A_174 = vector.broadcast %add3A_173 : f32 to vector<128x128xf32>
    %add3A_175 = arith.addf %div3A_172, %add3A_174 : vector<128x128xf32>
    %log3A_176 = math.log %add3A_175 : vector<128x128xf32>
    %neg3A_177 = arith.constant 0.000000e+00 : f32
    %neg3A_178 = vector.broadcast %neg3A_177 : f32 to vector<128x128xf32>
    %neg3A_179 = arith.subf %neg3A_178, %log3A_176 : vector<128x128xf32>
    %jit3A_180 = arith.constant 0.000000e+00 : f32
    %broadcast_in_dim3A_181 = vector.broadcast %jit3A_180 : f32 to vector<128x128xf32>
    %select_n3A_182 = arith.select %eq3A_105, %neg3A_179, %broadcast_in_dim3A_181 : vector<128x128xi1>, vector<128x128xf32>
    %reduce_sum3A_183 = vector.shape_cast %select_n3A_182 : vector<128x128xf32> to vector<1x128x128xf32>
    %reduce_sum3A_184 = arith.constant dense<0.000000e+00> : vector<1xf32>
    %reduce_sum3A_185 = vector.multi_reduction <add>, %reduce_sum3A_183, %reduce_sum3A_184 [1, 2] : vector<1x128x128xf32> to vector<1xf32>
    %reduce_sum3A_186 = vector.shape_cast %reduce_sum3A_185 : vector<1xf32> to vector<1x1x1xf32>
    %reduce_sum3A_187 = vector.extract %reduce_sum3A_186[0, 0, 0] : f32 from vector<1x1x1xf32>
    %div3A_188 = arith.constant 1.280000e+02 : f32
    %div3A_189 = arith.divf %reduce_sum3A_187, %div3A_188 : f32
    %iota3A_190 = tpu.iota {dimensions = array<i32: 1>} : vector<1x128xi32>
    %eq3A_191 = arith.constant 0 : i32
    %eq3A_192 = vector.broadcast %eq3A_191 : i32 to vector<1x128xi32>
    %eq3A_193 = arith.cmpi eq, %iota3A_190, %eq3A_192 : vector<1x128xi32>
    %eq3A_194 = arith.constant 1 : i32
    %eq3A_195 = vector.broadcast %eq3A_194 : i32 to vector<1x128xi32>
    %eq3A_196 = arith.cmpi eq, %iota3A_190, %eq3A_195 : vector<1x128xi32>
    %eq3A_197 = arith.constant 2 : i32
    %eq3A_198 = vector.broadcast %eq3A_197 : i32 to vector<1x128xi32>
    %eq3A_199 = arith.cmpi eq, %iota3A_190, %eq3A_198 : vector<1x128xi32>
    %jit3A_200 = arith.constant 0.000000e+00 : f32
    %broadcast_in_dim3A_201 = vector.broadcast %div3A_154 : f32 to vector<1x128xf32>
    %broadcast_in_dim3A_202 = vector.broadcast %jit3A_200 : f32 to vector<1x128xf32>
    %select_n3A_203 = arith.select %eq3A_199, %broadcast_in_dim3A_201, %broadcast_in_dim3A_202 : vector<1x128xi1>, vector<1x128xf32>
    %broadcast_in_dim3A_204 = vector.broadcast %div3A_189 : f32 to vector<1x128xf32>
    %select_n3A_205 = arith.select %eq3A_196, %broadcast_in_dim3A_204, %select_n3A_203 : vector<1x128xi1>, vector<1x128xf32>
    %broadcast_in_dim3A_206 = vector.broadcast %neg3A_99 : f32 to vector<1x128xf32>
    %select_n3A_207 = arith.select %eq3A_193, %broadcast_in_dim3A_206, %select_n3A_205 : vector<1x128xi1>, vector<1x128xf32>
    %swap3A = arith.constant 0 : index
    %swap3A_208 = arith.constant 0 : index
    %swap3A_209 = vector.load %arg7[%swap3A, %swap3A_208] : memref<1x128xf32, #tpu.memory_space<vmem>>, vector<1x128xf32>
    tpu.vector_store %arg7[%swap3A, %swap3A_208], %select_n3A_207 {strides = array<i32>} : memref<1x128xf32, #tpu.memory_space<vmem>>, vector<1x128xf32>,
    return
  }
}

</mosaic_0001>

<sc_bundles>
// kernel: kernel.4.cloned.1.call-start
scs
__scs_entry_jumppad:
0x0: {  	(pc) =	sbr.rel $0x88, $3  }
0x1: {  	(tag) =	ssettag $0x0;
	lr =	simm.s32 $0x1  }
0x2: {  	[smem:$0x3F9B] =	sst lr;
	_ =	strace $0xD0000000  }
0x3: {  	_ = 	snop  }
0x4: {  	_ = 	snop  }
0x5: {  	_ = 	snop  }
0x6: {  	_ = 	snop  }
0x7: {  	_ = 	snop  }
__scs_overlays_trampoline_lowered:
0x8: {  	[smem:$0x3FAA] =	sst s0  }
0x9: {  	[smem:$0x3FAB] =	sst s1  }
0xa: {  	[smem:$0x3FAC] =	sst s2  }
0xb: {  	[smem:$0x3FAD] =	sst s3  }
0xc: {  	[smem:$0x3FAE] =	sst s4  }
0xd: {  	[smem:$0x3FAF] =	sst s5  }
0xe: {  	[smem:$0x3FB0] =	sst s6  }
0xf: {  	[smem:$0x3FB1] =	sst s7  }
0x10: {  	[smem:$0x3FB2] =	sst s8  }
0x11: {  	[smem:$0x3FB3] =	sst s9;
	s0 =	simm.s32 @!p0 $0x0  }
0x12: {  	s1 =	sld [smem:$0x3F99];
	s0 =	simm.s32 @p0 $0x1  }
0x13: {  	[smem:$0x3FB4] =	sst s0;
	s0 =	simm.s32 @!p1 $0x0  }
0x14: {  	s2 =	sld [smem:$0x3F98];
	s0 =	simm.s32 @p1 $0x1  }
0x15: {  	[smem:$0x3FB5] =	sst s0;
	s0 =	simm.s32 @!p2 $0x0  }
0x16: {  	s3 =	sld [smem:$0x3FDB];
	s0 =	simm.s32 @p2 $0x1  }
0x17: {  	s4 =	simm.s32 $0x1BF5;
	[smem:$0x3FB7] =	sst s0  }
0x18: {  	s0 =	sld [smem:$0x3F9A];
	_ =	swait.ge [sflag:s4], $0x0  }
0x19: {  	s7 =	sld [smem:$0x3F9B]  }
0x1a: {  	s8 =	sadd.s32 $0xFFFFE003, lr  }
0x1b: {  	s9 =	sadd.s32 $0xFFFFFEF7, lr;
	s5 =	simm.s32 $0xFFFFFFFF;
	p2 =	slt.u32 s8, $0xFFFFF086  }
0x1c: {  	p1 =	slt.u32 s9, $0xF7A;
	s5 =	simm.s32 @!p2 $0x0  }
0x1d: {  	s5 =	simm.s32 @p1 $0x1;
	p0 =	seq.s32 s7, s2  }
0x1e: {  	s7 =	smul.u32 @!p0 $0xF7A, s2;
	p2 =	seq.s32 @!p0 s5, $0x0  }
0x1f: {  	s9 =	smul.u32 $0xF7A, s1;
	s8 =	simm.s32 @!p0 $0x1BF5;
	p2 =	por !p2, p0  }
0x20: {  	[sflag:s8] =	ssyncset.s32 @!p0 $0xFFFFF086;
	s6 =	sadd.s32 @!p0 s3, s7;
	s7 =	simm.s32 @!p0 $0x108  }
0x21: {  	s3 =	sadd.s32 s3, s9;
	s6 =	sadd.s32 @!p0 $0x88, s6;
	s7 =	simm.s32 @p2 $0x1082  }
0x22: {  	[simem:s7], [sflag:s8] =	dma.local @!p0 [hbm:s6], $0xF7A  }
0x23: {  	s9 =	sor.u32 $0xD0000000, s2;
	s6 =	simm.s32 $0x108;
	_ =	swait.ge @!p0 [sflag:s8], $0x0  }
0x24: {  	s3 =	sadd.s32 $0x88, s3;
	s6 =	simm.s32 @!p1 $0x1082;
	[sflag:s4] =	ssyncset.s32 $0xFFFFF086  }
0x25: {  	[simem:s6], [sflag:s4] =	dma.local [hbm:s3], $0xF7A  }
0x26: {  	[smem:$0x3F9B] =	sst s1;
	(tag) =	ssettag s2;
	_ =	strace s9  }
0x27: {  	s1 =	sld [smem:$0x3FAB]  }
0x28: {  	s2 =	sld [smem:$0x3FAC]  }
0x29: {  	s4 =	sld [smem:$0x3FAE]  }
0x2a: {  	p0 =	seq.s32 s5, $0x0;
	s5 =	sld [smem:$0x3FAF]  }
0x2b: {  	s6 =	sld [smem:$0x3FB0]  }
0x2c: {  	s7 =	sld [smem:$0x3FB1]  }
0x2d: {  	s3 =	simm.s32 $0x108;
	s8 =	sld [smem:$0x3FB2]  }
0x2e: {  	s3 =	simm.s32 @!p0 $0x1082;
	s9 =	sld [smem:$0x3FB3]  }
0x2f: {  	lr =	sadd.s32 s0, s3;
	s0 =	sld [smem:$0x3FAA]  }
0x30: {  	s3 =	sld [smem:$0x3FAD]  }
0x31: {  	[smem:$0x3FB6] =	sst s10  }
0x32: {  	s10 =	sld [smem:$0x3FB4];
	_ =	sdelay $0x3  }
0x33: {  	p0 =	seq.s32 s10, $0x1;
	s10 =	sld [smem:$0x3FB6];
	_ =	sdelay $0x3  }
0x34: {  	[smem:$0x3FB6] =	sst s10  }
0x35: {  	s10 =	sld [smem:$0x3FB5];
	_ =	sdelay $0x3  }
0x36: {  	p1 =	seq.s32 s10, $0x1;
	s10 =	sld [smem:$0x3FB6];
	_ =	sdelay $0x3  }
0x37: {  	[smem:$0x3FB6] =	sst s10  }
0x38: {  	s10 =	sld [smem:$0x3FB7]  }
0x39: {  	_ = 	snop;
	(pc) =	sbr.ind lr, $3  }
0x3a: {  	_ = 	snop  }
0x3b: {  	_ = 	snop  }
0x3c: {  	p2 =	seq.s32 s10, $0x1;
	s10 =	sld [smem:$0x3FB6]  }
0x3d: {  	_ =	shalt  }
0x3e: {  	_ =	shalt  }
0x3f: {  	_ =	shalt  }
0x40: {  	_ =	shalt  }
0x41: {  	_ =	shalt  }
0x42: {  	_ =	shalt  }
0x43: {  	_ =	shalt  }
0x44: {  	_ =	shalt  }
0x45: {  	_ =	shalt  }
0x46: {  	_ =	shalt  }
0x47: {  	_ =	shalt  }
0x48: {  	_ =	shalt  }
0x49: {  	_ =	shalt  }
0x4a: {  	_ =	shalt  }
0x4b: {  	_ =	shalt  }
0x4c: {  	_ =	shalt  }
0x4d: {  	_ =	shalt  }
0x4e: {  	_ =	shalt  }
0x4f: {  	_ =	shalt  }
0x50: {  	_ =	shalt  }
0x51: {  	_ =	shalt  }
0x52: {  	_ =	shalt  }
0x53: {  	_ =	shalt  }
0x54: {  	_ =	shalt  }
0x55: {  	_ =	shalt  }
0x56: {  	_ =	shalt  }
0x57: {  	_ =	shalt  }
0x58: {  	_ =	shalt  }
0x59: {  	_ =	shalt  }
0x5a: {  	_ =	shalt  }
0x5b: {  	_ =	shalt  }
0x5c: {  	_ =	shalt  }
0x5d: {  	_ =	shalt  }
0x5e: {  	_ =	shalt  }
0x5f: {  	_ =	shalt  }
0x60: {  	_ =	shalt  }
0x61: {  	_ =	shalt  }
0x62: {  	_ =	shalt  }
0x63: {  	_ =	shalt  }
0x64: {  	_ =	shalt  }
0x65: {  	_ =	shalt  }
0x66: {  	_ =	shalt  }
0x67: {  	_ =	shalt  }
0x68: {  	_ =	shalt  }
0x69: {  	_ =	shalt  }
0x6a: {  	_ =	shalt  }
0x6b: {  	_ =	shalt  }
0x6c: {  	_ =	shalt  }
0x6d: {  	_ =	shalt  }
0x6e: {  	_ =	shalt  }
0x6f: {  	_ =	shalt  }
0x70: {  	_ =	shalt  }
0x71: {  	_ =	shalt  }
0x72: {  	_ =	shalt  }
0x73: {  	_ =	shalt  }
0x74: {  	_ =	shalt  }
0x75: {  	_ =	shalt  }
0x76: {  	_ =	shalt  }
0x77: {  	_ =	shalt  }
0x78: {  	_ =	shalt  }
0x79: {  	_ =	shalt  }
0x7a: {  	_ =	shalt  }
0x7b: {  	_ =	shalt  }
0x7c: {  	_ =	shalt  }
0x7d: {  	_ =	shalt  }
0x7e: {  	_ =	shalt  }
0x7f: {  	_ =	shalt  }
0x80: {  	_ =	shalt  }
0x81: {  	_ =	shalt  }
0x82: {  	_ =	shalt  }
0x83: {  	_ =	shalt  }
0x84: {  	_ =	shalt  }
0x85: {  	_ =	shalt  }
0x86: {  	_ =	shalt  }
0x87: {  	_ =	shalt  }
.Lfunc_end0:
.L_simem_size_0:
called_computation_lowered:
.L_overlay_start_0:
0x88: {  	s2 =	sld [smem:$0x3FD9]  }
0x89: {  	s3 =	sld [smem:$0x3FFE];
	_ =	sdelay $0x1  }
0x8a: {  	s1 =	srdreg.scid  }
0x8b: {  	s0 =	sand.u32 $0x1, s1  }
0x8c: {  	s14 =	sshll.u32 s0, $0xA;
	s2 =	sadd.s32 s3, s2  }
0x8d: {  	s2 =	sadd.s32 s2, s14  }
0x8e: {  	[smem:$0x3FC2] =	sst s2  }
0x8f: {  	_ = 	snop  }
0x90: {  	s2 =	sld [smem:$0x3FD0]  }
0x91: {  	s15 =	sld [smem:$0x3FC6]  }
0x92: {  	s4 =	sld [smem:$0x3FC5]  }
0x93: {  	s6 =	simm.s32 $0xA;
	s7 =	simm.s32 $0x10;
	s5 =	sld [smem:$0x3FC4]  }
0x94: {  	[smem:s7], [sflag:s6] =	dma.local [hbm:s2], $0x1  }
0x95: {  	_ =	swait.eq [sflag:s6], $0x1  }
0x96: {  	[sflag:s6] =	ssyncset.done $0x0  }
0x97: {  	[sflag:s6] =	ssyncadd.s32 $0xFFFFFFFF  }
0x98: {  	s16 =	sld [smem:$0x10];
	(tm) =	ssettm $0x1  }
0x99: {  	s17 =	sld [smem:$0x3FFB];
	_ =	sdelay $0x3  }
0x9a: {  	_ =	strace s17  }
0x9b: {  	s6 =	sld [smem:$0x3FFC];
	_ =	sdelay $0x3  }
0x9c: {  	_ =	strace s6  }
0x9d: {  	s6 =	sld [smem:$0x3FFD];
	_ =	sdelay $0x3  }
0x9e: {  	_ =	strace s6  }
0x9f: {  	_ =	strace $0x8FFFFFFF  }
0xa0: {  	s18 =	sld [smem:$0x3FDB];
	_ =	sdelay $0x1  }
0xa1: {  	s19 =	simm.s32 $_scs_section_size  }
0xa2: {  	s8 =	simm.s32 $_size__tile_overlayer_lowered;
	s9 =	simm.s32 $_tile_overlayer_lowered  }
0xa3: {  	s22 =	simm.s32 $0x1BFF;
	s21 =	sshll.u32 s9, $0x1;
	s6 =	sadd.s32 s19, s18  }
0xa4: {  	s10 =	simm.s32 $0x0;
	s20 =	sshll.u32 s8, $0x1;
	s8 =	sadd.s32 s21, s6  }
0xa5: {  	[timem:s10], [sflag:s22] =	dma.local [hbm:s8], s20  }
0xa6: {  	_ =	swait.ge [sflag:s22], s20  }
0xa7: {  	s7 =	ssub.s32 $0x0, s20;
	[sflag:s22] =	ssyncset.done $0x0  }
0xa8: {  	[sflag:s22] =	ssyncadd.s32 s7;
	_ =	sdelay $0x1  }
0xa9: {  	s23 =	simm.s32 $0x1B8B  }
0xaa: {  	_ =	swait.ge [sflag:s23], $0x1  }
0xab: {  	[sflag:s23] =	ssyncset.done $0x0  }
0xac: {  	s25 =	simm.s32 $0x1B8E;
	s24 =	sld [smem:$0x3FFE];
	[sflag:s23] =	ssyncadd.s32 $0xFFFFFFFF  }
0xad: {  	s26 =	simm.s32 $execute0_lowered;
	[smem:$0x3FD2] =	sst s25  }
0xae: {  	s8 =	sshll.u32 s26, $0x1;
	_ =	strace $0x80000046;
	[dreg:$0x1] =	wrdreg $0xFFFFFFFF  }
0xaf: {  	s28 =	simm.s32 $_size_execute0_lowered;
	s6 =	sadd.s32 s6, s8;
	[dreg:$0x0] =	wrdreg $0x0  }
0xb0: {  	s8 =	sshll.u32 s28, $0x1;
	[dreg:$0x2] =	wrdreg s6  }
0xb1: {  	[dreg:$0x3] =	wrdreg s8  }
0xb2: {  	[dreg:$0x4] =	wrdreg $0xC0  }
0xb3: {  	_ =	task [dreg:s10], $0x5FFFF  }
0xb4: {  	[dreg:$0x1] =	wrdreg $0xFFFFFFFF  }
0xb5: {  	[dreg:$0x0] =	wrdreg $0x60  }
0xb6: {  	[dreg:$0x2] =	wrdreg s4  }
0xb7: {  	[dreg:$0x3] =	wrdreg s5  }
0xb8: {  	[dreg:$0x4] =	wrdreg s15  }
0xb9: {  	[dreg:$0x5] =	wrdreg s24  }
0xba: {  	[dreg:$0x6] =	wrdreg s16  }
0xbb: {  	[dreg:$0x7] =	wrdreg $0x9  }
0xbc: {  	_ =	task.clear_ibuf [dreg:s10], $0x8FFFF;
	_ =	strace $0x90000046  }
0xbd: {  	s29 =	simm.s32 $0x9;
	_ =	strace $0x80000048  }
0xbe: {  	_ =	swait.ge [sflag:s29], $0x1  }
0xbf: {  	[sflag:s29] =	ssyncadd.s32 $0xFFFFFFFF  }
0xc0: {  	_ =	strace $0x90000048  }
0xc1: {  	_ =	sfence  }
0xc2: {  	s30 =	sld [smem:$0x0];
	_ =	sdelay $0x2  }
0xc3: {  	s31 =	sshll.u32 s1, $0xD;
	s1 =	sshrl.u32 s1, $0x2  }
0xc4: {  	s3 =	sand.u32 $0x4000, s31;
	s1 =	sadd.s32 s1, s30  }
0xc5: {  	s0 =	sor.u32 s3, s0;
	s1 =	sshll.u32 s1, $0x11  }
0xc6: {  	s0 =	sor.u32 s1, s0  }
0xc7: {  	s0 =	sadd.s32 $0x8F2B, s0  }
0xc8: {  	[sflag:s0] =	ssyncadd.remote.s32 $0x1  }
0xc9: {  	_ =	sfence.sel $0xFFFF  }
0xca: {  	[dreg:$0x0] =	wrdreg $0xFFFFFFFF;
	(pc) =	sbr.abs _section_cstart, $3  }
0xcb: {  	[dreg:$0x1] =	wrdreg $0xFFFFFFFF  }
0xcc: {  	_ =	task.clear_ibuf [dreg:s10], $0x2FFFF;
	_ =	strace $0x9FFFFFFF  }
0xcd: {  	(tm) =	ssettm $0x7FFFFFFF  }
tec
execute0_lowered:
.L_overlay_start_1:
0x0: {  	(tag) =	ssettag $0x1  }
0x1: {  	v0 =	vimm.s32 $0xFEDCBA9;
	v1 =	vimm.s32 $0x87654321;
	v2 =	vimm.s32 $0x10FEDCBA  }
0x2: {  	v3 =	vimm.s32 $0x98765432;
	v4 =	vimm.s32 $0x210FEDCB;
	v5 =	vimm.s32 $0xA9876543  }
0x3: {  	v6 =	vimm.s32 $0x3210FEDC;
	v7 =	vimm.s32 $0xBA987654;
	v8 =	vimm.s32 $0xCBA98765  }
0x4: {  	v16 =	vimm.s32 $0x543210FE;
	v17 =	vimm.s32 $0xDCBA9876;
	v25 =	vimm.s32 $0x76543210  }
0x5: {  	vm15 =	vcmask $0x300;
	vm14 =	vcmask $0x704;
	vm13 =	vcmask $0xB08  }
0x6: {  	vm12 =	vcmask $0xF0C;
	vm11 =	vcmask $0x1310;
	vm10 =	vcmask $0x1714  }
0x7: {  	vm8 =	vcmask $0x1B18;
	vm0 =	vmmov $0xf;
	vm1 =	vcmask $0x1F1C  }
0x8: {  	vm2 =	vcmask $0x2320;
	vm3 =	vcmask $0x2724;
	vm4 =	vcmask $0x2B28  }
0x9: {  	vm5 =	vcmask $0x2F2C;
	vm6 =	vcmask $0x3330;
	vm7 =	vcmask $0x3734  }
0xa: {  	vm9 =	vcmask $0x3B38;
	v27 =	vimm.s32 $0x9CF8;
	v28 =	vimm.s32 $0x9CF9  }
0xb: {  	v29 =	vimm.s32 $0x9CFA;
	v30 =	vimm.s32 $0x9CFB;
	v31 =	vimm.s32 $0x9CFC  }
0xc: {  	v32 =	vimm.s32 $0x9CFD;
	v33 =	vimm.s32 $0x9CFE;
	v0 =	vunpack.c.l.s4.s8 v0  }
0xd: {  	v1 =	vunpack.c.l.s4.s8 v1;
	v2 =	vunpack.c.l.s4.s8 v2;
	v3 =	vunpack.c.l.s4.s8 v3  }
0xe: {  	v4 =	vunpack.c.l.s4.s8 v4;
	v5 =	vunpack.c.l.s4.s8 v5;
	v6 =	vunpack.c.l.s4.s8 v6  }
0xf: {  	v8 =	vunpack.c.l.s4.s8 v8;
	v16 =	vunpack.c.l.s4.s8 v16;
	v27 =	vsel vm15, $0x9C09, v27  }
0x10: {  	v28 =	vsel vm15, $0x9C0A, v28;
	v29 =	vsel vm15, $0x9C0B, v29;
	v30 =	vsel vm15, $0x9C0C, v30  }
0x11: {  	v31 =	vsel vm15, $0x9C0D, v31;
	v32 =	vsel vm15, $0x9C0E, v32;
	v33 =	vsel vm15, $0x9C0F, v33  }
0x12: {  	v27 =	vsel vm14, $0x9C1A, v27;
	v28 =	vsel vm14, $0x9C1B, v28;
	v29 =	vsel vm14, $0x9C1C, v29  }
0x13: {  	v30 =	vsel vm14, $0x9C1D, v30;
	v31 =	vsel vm14, $0x9C1E, v31;
	v32 =	vsel vm14, $0x9C1F, v32  }
0x14: {  	v33 =	vsel vm14, $0x9C10, v33;
	v9 =	vunpack.c.0.s8.s32 v0;
	v10 =	vunpack.c.0.s8.s32 v1  }
0x15: {  	v11 =	vunpack.c.0.s8.s32 v2;
	v12 =	vunpack.c.0.s8.s32 v3;
	v13 =	vunpack.c.0.s8.s32 v4  }
0x16: {  	v14 =	vunpack.c.0.s8.s32 v5;
	v0 =	vimm.f32 $0.0e+00;
	v1 =	vlaneseq.u32  }
0x17: {  	v15 =	vunpack.c.0.s8.s32 v6;
	v6 =	vunpack.c.l.s4.s8 v7;
	v7 =	vimm.s32 $0x43210FED  }
0x18: {  	v16 =	vunpack.c.0.s8.s32 v16;
	v27 =	vsel vm13, $0x9C2B, v27;
	v28 =	vsel vm13, $0x9C2C, v28  }
0x19: {  	v29 =	vsel vm13, $0x9C2D, v29;
	v30 =	vsel vm13, $0x9C2E, v30;
	v31 =	vsel vm13, $0x9C2F, v31  }
0x1a: {  	v32 =	vsel vm13, $0x9C20, v32;
	v33 =	vsel vm13, $0x9C21, v33;
	v2 =	vmul.u32 $0x10, v1  }
0x1b: {  	v7 =	vunpack.c.l.s4.s8 v7;
	v27 =	vsel vm12, $0x9C3C, v27;
	v28 =	vsel vm12, $0x9C3D, v28  }
0x1c: {  	v29 =	vsel vm12, $0x9C3E, v29;
	v30 =	vsel vm12, $0x9C3F, v30;
	v31 =	vsel vm12, $0x9C30, v31  }
0x1d: {  	v32 =	vsel vm12, $0x9C31, v32;
	v33 =	vsel vm12, $0x9C32, v33;
	v3 =	vcombine.low v10, v9  }
0x1e: {  	v4 =	vcombine.low v12, v11;
	v5 =	vcombine.low v14, v13;
	v18 =	vunpack.c.0.s8.s32 v6  }
0x1f: {  	v6 =	vunpack.c.l.s4.s8 v17;
	v17 =	vunpack.c.0.s8.s32 v8;
	v12 =	vcombine.low v11, v12  }
0x20: {  	v13 =	vcombine.low v13, v14;
	v27 =	vsel vm11, $0x9C4D, v27;
	v28 =	vsel vm11, $0x9C4E, v28  }
0x21: {  	v29 =	vsel vm11, $0x9C4F, v29;
	v30 =	vsel vm11, $0x9C40, v30;
	v31 =	vsel vm11, $0x9C41, v31  }
0x22: {  	v32 =	vsel vm11, $0x9C42, v32;
	v33 =	vsel vm11, $0x9C43, v33;
	v19 =	vunpack.c.0.s8.s32 v7  }
0x23: {  	v7 =	vimm.s32 $0x6543210F;
	v27 =	vsel vm10, $0x9C5E, v27;
	v28 =	vsel vm10, $0x9C5F, v28  }
0x24: {  	v29 =	vsel vm10, $0x9C50, v29;
	v30 =	vsel vm10, $0x9C51, v30;
	v31 =	vsel vm10, $0x9C52, v31  }
0x25: {  	v32 =	vsel vm10, $0x9C53, v32;
	v33 =	vsel vm10, $0x9C54, v33;
	v3 =	vand.u32 $0xF, v3  }
0x26: {  	v4 =	vand.u32 $0xF, v4;
	v5 =	vand.u32 $0xF, v5;
	v20 =	vunpack.c.0.s8.s32 v6  }
0x27: {  	v6 =	vunpack.c.l.s4.s8 v7;
	v7 =	vimm.s32 $0xEDCBA987;
	v8 =	vcombine.low v18, v15  }
0x28: {  	v14 =	vcombine.low v15, v18;
	v12 =	vand.u32 $0xF, v12;
	v13 =	vand.u32 $0xF, v13  }
0x29: {  	v27 =	vsel vm8, $0x9C6F, v27;
	v28 =	vsel vm8, $0x9C60, v28;
	v29 =	vsel vm8, $0x9C61, v29  }
0x2a: {  	v30 =	vsel vm8, $0x9C62, v30;
	v31 =	vsel vm8, $0x9C63, v31;
	v32 =	vsel vm8, $0x9C64, v32  }
0x2b: {  	v33 =	vsel vm8, $0x9C65, v33;
	v21 =	vcombine.low v17, v19;
	v7 =	vunpack.c.l.s4.s8 v7  }
0x2c: {  	v15 =	vcombine.low v19, v17;
	v17 =	vimm.s32 $0x9CF0;
	v19 =	vmul.u32 $0x11, v1  }
0x2d: {  	v27 =	vsel vm1, $0x9C70, v27;
	v28 =	vsel vm1, $0x9C71, v28;
	v29 =	vsel vm1, $0x9C72, v29  }
0x2e: {  	v30 =	vsel vm1, $0x9C73, v30;
	v31 =	vsel vm1, $0x9C74, v31;
	v32 =	vsel vm1, $0x9C75, v32  }
0x2f: {  	v33 =	vsel vm1, $0x9C76, v33;
	v22 =	vcombine.low v20, v16;
	v23 =	vunpack.c.0.s8.s32 v6  }
0x30: {  	v6 =	vimm.s32 $0xFEDCBA98;
	v14 =	vand.u32 $0xF, v14;
	v16 =	vcombine.low v16, v20  }
0x31: {  	v17 =	vsel vm15, $0x9C01, v17;
	v27 =	vsel vm2, $0x9C81, v27;
	v28 =	vsel vm2, $0x9C82, v28  }
0x32: {  	v29 =	vsel vm2, $0x9C83, v29;
	v30 =	vsel vm2, $0x9C84, v30;
	v31 =	vsel vm2, $0x9C85, v31  }
0x33: {  	v32 =	vsel vm2, $0x9C86, v32;
	v33 =	vsel vm2, $0x9C87, v33;
	v24 =	vunpack.c.0.s8.s32 v7  }
0x34: {  	v26 =	vunpack.c.l.s4.s8 v6;
	v6 =	vand.u32 $0xF, v8;
	v7 =	vand.u32 $0xF, v21  }
0x35: {  	v21 =	vunpack.c.l.s4.s8 v25;
	v15 =	vand.u32 $0xF, v15;
	v17 =	vsel vm14, $0x9C12, v17  }
0x36: {  	v27 =	vsel vm3, $0x9C92, v27;
	v28 =	vsel vm3, $0x9C93, v28;
	v29 =	vsel vm3, $0x9C94, v29  }
0x37: {  	v30 =	vsel vm3, $0x9C95, v30;
	v31 =	vsel vm3, $0x9C96, v31;
	v32 =	vsel vm3, $0x9C97, v32  }
0x38: {  	v33 =	vsel vm3, $0x9C98, v33;
	v8 =	vand.u32 $0xF, v22;
	v16 =	vand.u32 $0xF, v16  }
0x39: {  	v17 =	vsel vm13, $0x9C23, v17;
	v27 =	vsel vm4, $0x9CA3, v27;
	v28 =	vsel vm4, $0x9CA4, v28  }
0x3a: {  	v29 =	vsel vm4, $0x9CA5, v29;
	v30 =	vsel vm4, $0x9CA6, v30;
	v31 =	vsel vm4, $0x9CA7, v31  }
0x3b: {  	v32 =	vsel vm4, $0x9CA8, v32;
	v33 =	vsel vm4, $0x9CA9, v33;
	v22 =	vcombine.low v24, v23  }
0x3c: {  	v25 =	vunpack.c.0.s8.s32 v26;
	v21 =	vunpack.c.0.s8.s32 v21;
	v26 =	vcombine.low v9, v10  }
0x3d: {  	v18 =	vcombine.low v23, v24;
	v17 =	vsel vm12, $0x9C34, v17;
	v23 =	vimm.s32 $0x9CF4  }
0x3e: {  	v24 =	vimm.s32 $0x9CF5;
	v27 =	vsel vm5, $0x9CB4, v27;
	v28 =	vsel vm5, $0x9CB5, v28  }
0x3f: {  	v29 =	vsel vm5, $0x9CB6, v29;
	v30 =	vsel vm5, $0x9CB7, v30;
	v31 =	vsel vm5, $0x9CB8, v31  }
0x40: {  	v32 =	vsel vm5, $0x9CB9, v32;
	v33 =	vsel vm5, $0x9CBA, v33;
	v20 =	vsel vm11, $0x9C45, v17  }
0x41: {  	v23 =	vsel vm15, $0x9C05, v23;
	v24 =	vsel vm15, $0x9C06, v24;
	v27 =	vsel vm6, $0x9CC5, v27  }
0x42: {  	v28 =	vsel vm6, $0x9CC6, v28;
	v29 =	vsel vm6, $0x9CC7, v29;
	v30 =	vsel vm6, $0x9CC8, v30  }
0x43: {  	v31 =	vsel vm6, $0x9CC9, v31;
	v32 =	vsel vm6, $0x9CCA, v32;
	v33 =	vsel vm6, $0x9CCB, v33  }
0x44: {  	v10 =	vand.u32 $0xF, v25;
	v9 =	vand.u32 $0xF, v22;
	v11 =	vand.u32 $0xF, v26  }
0x45: {  	v17 =	vand.u32 $0xF, v18;
	v20 =	vsel vm10, $0x9C56, v20;
	v18 =	vor.u32 $0x9C00, v19  }
0x46: {  	v22 =	vimm.s32 $0x9CF3;
	v23 =	vsel vm14, $0x9C16, v23;
	v24 =	vsel vm14, $0x9C17, v24  }
0x47: {  	v25 =	vimm.s32 $0x9CF6;
	v26 =	vimm.s32 $0x9CF7;
	v27 =	vsel vm7, $0x9CD6, v27  }
0x48: {  	v28 =	vsel vm7, $0x9CD7, v28;
	v29 =	vsel vm7, $0x9CD8, v29;
	v30 =	vsel vm7, $0x9CD9, v30  }
0x49: {  	v31 =	vsel vm7, $0x9CDA, v31;
	v32 =	vsel vm7, $0x9CDB, v32;
	v33 =	vsel vm7, $0x9CDC, v33  }
0x4a: {  	v10 =	vcombine.low v10, v21;
	v19 =	vsel vm8, $0x9C67, v20;
	v20 =	vimm.s32 $0x9CF1  }
0x4b: {  	v21 =	vimm.s32 $0x9CF2;
	v22 =	vsel vm15, $0x9C04, v22;
	v23 =	vsel vm13, $0x9C27, v23  }
0x4c: {  	v24 =	vsel vm13, $0x9C28, v24;
	v25 =	vsel vm15, $0x9C07, v25;
	v26 =	vsel vm15, $0x9C08, v26  }
0x4d: {  	v27 =	vsel vm9, $0x9CE7, v27;
	v28 =	vsel vm9, $0x9CE8, v28;
	v29 =	vsel vm9, $0x9CE9, v29  }
0x4e: {  	v30 =	vsel vm9, $0x9CEA, v30;
	v31 =	vsel vm9, $0x9CEB, v31;
	v32 =	vsel vm9, $0x9CEC, v32  }
0x4f: {  	v33 =	vsel vm9, $0x9CED, v33;
	v19 =	vsel vm1, $0x9C78, v19;
	v20 =	vsel vm15, $0x9C02, v20  }
0x50: {  	v21 =	vsel vm15, $0x9C03, v21;
	v22 =	vsel vm14, $0x9C15, v22;
	v23 =	vsel vm12, $0x9C38, v23  }
0x51: {  	v24 =	vsel vm12, $0x9C39, v24;
	v25 =	vsel vm14, $0x9C18, v25;
	v26 =	vsel vm14, $0x9C19, v26  }
0x52: {  	v20 =	vsel vm14, $0x9C13, v20;
	v21 =	vsel vm14, $0x9C14, v21;
	v19 =	vsel vm2, $0x9C89, v19  }
0x53: {  	v22 =	vsel vm13, $0x9C26, v22;
	v23 =	vsel vm11, $0x9C49, v23;
	v24 =	vsel vm11, $0x9C4A, v24  }
0x54: {  	v25 =	vsel vm13, $0x9C29, v25;
	v26 =	vsel vm13, $0x9C2A, v26;
	v20 =	vsel vm13, $0x9C24, v20  }
0x55: {  	v21 =	vsel vm13, $0x9C25, v21;
	v19 =	vsel vm3, $0x9C9A, v19;
	v22 =	vsel vm12, $0x9C37, v22  }
0x56: {  	v23 =	vsel vm10, $0x9C5A, v23;
	v24 =	vsel vm10, $0x9C5B, v24;
	v25 =	vsel vm12, $0x9C3A, v25  }
0x57: {  	v26 =	vsel vm12, $0x9C3B, v26;
	v20 =	vsel vm12, $0x9C35, v20;
	v21 =	vsel vm12, $0x9C36, v21  }
0x58: {  	v19 =	vsel vm4, $0x9CAB, v19;
	v22 =	vsel vm11, $0x9C48, v22;
	v23 =	vsel vm8, $0x9C6B, v23  }
0x59: {  	v24 =	vsel vm8, $0x9C6C, v24;
	v25 =	vsel vm11, $0x9C4B, v25;
	v26 =	vsel vm11, $0x9C4C, v26  }
0x5a: {  	v20 =	vsel vm11, $0x9C46, v20;
	v21 =	vsel vm11, $0x9C47, v21;
	v19 =	vsel vm5, $0x9CBC, v19  }
0x5b: {  	v22 =	vsel vm10, $0x9C59, v22;
	v23 =	vsel vm1, $0x9C7C, v23;
	v24 =	vsel vm1, $0x9C7D, v24  }
0x5c: {  	v25 =	vsel vm10, $0x9C5C, v25;
	v26 =	vsel vm10, $0x9C5D, v26;
	v20 =	vsel vm10, $0x9C57, v20  }
0x5d: {  	v21 =	vsel vm10, $0x9C58, v21;
	v19 =	vsel vm6, $0x9CCD, v19;
	v22 =	vsel vm8, $0x9C6A, v22  }
0x5e: {  	v23 =	vsel vm2, $0x9C8D, v23;
	v24 =	vsel vm2, $0x9C8E, v24;
	v25 =	vsel vm8, $0x9C6D, v25  }
0x5f: {  	v26 =	vsel vm8, $0x9C6E, v26;
	v20 =	vsel vm8, $0x9C68, v20;
	v21 =	vsel vm8, $0x9C69, v21  }
0x60: {  	s0 =	rddreg [dreg:$0x0];
	v19 =	vsel vm7, $0x9CDE, v19;
	v22 =	vsel vm1, $0x9C7B, v22;
	v23 =	vsel vm3, $0x9C9E, v23  }
0x61: {  	s1 =	rddreg [dreg:$0x1];
	s2 =	srdreg.scid;
	v24 =	vsel vm3, $0x9C9F, v24;
	v25 =	vsel vm1, $0x9C7E, v25;
	v26 =	vsel vm1, $0x9C7F, v26  }
0x62: {  	s5 =	stileid.u32;
	s4 =	rddreg [dreg:$0x3];
	s6 =	simm.s32 $0x0;
	[tilespmem:$0x1FFB0] =	vst v18;
	v20 =	vsel vm1, $0x9C79, v20;
	v21 =	vsel vm1, $0x9C7A, v21;
	v18 =	vsel vm9, $0x9CEF, v19  }
0x63: {  	s16 =	simm.s32 $0x13A00;
	s17 =	simm.s32 $0x10;
	s18 =	simm.s32 $0x80;
	v22 =	vsel vm2, $0x9C8C, v22;
	v23 =	vsel vm4, $0x9CAF, v23;
	v24 =	vsel vm4, $0x9CA0, v24  }
0x64: {  	s19 =	simm.s32 $0x9D00;
	s20 =	simm.s32 $0x1;
	s21 =	simm.s32 $0x2;
	v25 =	vsel vm2, $0x9C8F, v25;
	v26 =	vsel vm2, $0x9C80, v26;
	v20 =	vsel vm2, $0x9C8A, v20  }
0x65: {  	s22 =	simm.s32 $0x19BC8;
	s23 =	simm.s32 $0x3;
	s24 =	simm.s32 $0x5;
	v21 =	vsel vm2, $0x9C8B, v21;
	v22 =	vsel vm3, $0x9C9D, v22;
	v23 =	vsel vm5, $0x9CB0, v23  }
0x66: {  	s25 =	simm.s32 $0x0;
	s8 =	sand.u32 $0x1, s2;
	s26 =	sshll.u32 s5, $0x1;
	v24 =	vsel vm5, $0x9CB1, v24;
	v25 =	vsel vm3, $0x9C90, v25;
	v26 =	vsel vm3, $0x9C91, v26  }
0x67: {  	s9 =	sshrl.u32 s5, $0x2;
	[smem:$0x7FF] =	sst s6;
	s3 =	sor.u32 s8, s26;
	v20 =	vsel vm3, $0x9C9B, v20;
	v21 =	vsel vm3, $0x9C9C, v21;
	v22 =	vsel vm4, $0x9CAE, v22  }
0x68: {  	s10 =	sshll.u32 s9, $0x11;
	s8 =	ssub.s32 $0x2, s8;
	s28 =	smul.u32 $0x30D400, s9;
	v23 =	vsel vm6, $0x9CC1, v23;
	v24 =	vsel vm6, $0x9CC2, v24;
	v25 =	vsel vm4, $0x9CA1, v25  }
0x69: {  	s11 =	sshll.u32 s9, $0x7;
	s14 =	smul.u32 $0x61A8, s9;
	s2 =	sand.u32 $0x7, s3;
	v26 =	vsel vm4, $0x9CA2, v26;
	v20 =	vsel vm4, $0x9CAC, v20;
	v21 =	vsel vm4, $0x9CAD, v21  }
0x6a: {  	s12 =	sshrl.u32 s8, $0x1;
	p0 =	sne.s32 s3, $0x1;
	s7 =	sshll.u32 s2, $0x4;
	v22 =	vsel vm5, $0x9CBF, v22;
	v23 =	vsel vm7, $0x9CD2, v23;
	v20 =	vsel vm5, $0x9CBD, v20  }
0x6b: {  	s15 =	ssub.s32 s8, s12;
	s9 =	sshrl.u32 s14, $0x3;
	s12 =	sadd.s32 $0x1D4C, s14;
	v24 =	vsel vm7, $0x9CD3, v24;
	v21 =	vsel vm5, $0x9CBE, v21;
	v20 =	vsel vm6, $0x9CCE, v20  }
0x6c: {  	p1 =	sne.s32 s2, $0x0;
	s10 =	sor.u32 s10, s7;
	s29 =	sor.u32 s28, s7;
	v25 =	vsel vm5, $0x9CB2, v25;
	v21 =	vsel vm6, $0x9CCF, v21;
	v20 =	vsel vm7, $0x9CDF, v20  }
.Ltmp0:
0x6d: {  	s8 =	sadd.s32 s1, s9;
	s10 =	sshrl.u32 s10, $0x3;
	[tilespmem:$0x1FFC0] =	vst v18;
	v22 =	vsel vm6, $0x9CC0, v22;
	v21 =	vsel vm7, $0x9CD0, v21;
	v18 =	vsel vm9, $0x9CE0, v20;
	(pc) =	sbr.rel .LBB2_1-.Ltmp0, $4  }
0x6e: {  	s15 =	smax.u32 s15, $0x1;
	s30 =	sadd.s32 $0x4E200, s29;
	s13 =	sadd.s32 s10, s4;
	v26 =	vsel vm5, $0x9CB3, v26;
	v22 =	vsel vm7, $0x9CD1, v22;
	[tilespmem:$0x1FFD0] =	vst v18;
	v18 =	vsel vm9, $0x9CE1, v21  }
0x6f: {  	s4 =	sadd.s32 s11, s4;
	s10 =	sshrl.u32 s29, $0x3;
	s31 =	sshrl.u32 s30, $0x3;
	v25 =	vsel vm6, $0x9CC3, v25;
	v26 =	vsel vm6, $0x9CC4, v26;
	[tilespmem:$0x1FFE0] =	vst v18;
	v18 =	vsel vm9, $0x9CE2, v22  }
0x70: {  	s11 =	sadd.s32 $0x1388, s14;
	s9 =	sadd.s32 s0, s10;
	s13 =	sadd.s32 $0x1600, s13;
	v23 =	vsel vm9, $0x9CE3, v23;
	v25 =	vsel vm7, $0x9CD4, v25;
	v26 =	vsel vm7, $0x9CD5, v26;
	[tilespmem:$0x1FFF0] =	vst v18  }
0x71: {  	s10 =	sadd.s32 s0, s31;
	s14 =	sadd.s32 $0x1400, s4;
	v24 =	vsel vm9, $0x9CE4, v24;
	v25 =	vsel vm9, $0x9CE5, v25;
	v26 =	vsel vm9, $0x9CE6, v26;
	_ =	strace $0x80000047  }
.LBB2_12:
0x72: {  	[hbm4b:s13+s17] =	stream.strided.scatter [tilespmem:s22], [sflag:$0x5], $0x4000, s18, s17, $0x38;
	[tilespmem:$0x1E0C8] =	vst v63  }
0x73: {  	_ =	swait.ge [sflag:s24], $0x4000  }
0x74: {  	s2 =	simm.s32 @!p1 $0x0;
	s25 =	sadd.s32 $0x1, s25;
	[sflag:s24] =	ssyncset.done $0x0  }
0x75: {  	s3 =	simm.s32 @!p1 $0x1DBC8;
	p2 =	sne.s32 s25, s15;
	[sflag:s24] =	ssyncadd.s32 $0xFFFFC000  }
0x76: {  	[hbm4b:s14+s2] =	stream.linear.scatter @!p1 [tilespmem:s3], [sflag:$0x5], $0x400, $0x38;
	[tilespmem:$0x1E0C8] =	vst v63  }
.Ltmp1:
0x77: {  	_ = 	snop;
	(pc) =	sbr.rel @!p2 .LBB2_13-.Ltmp1, $4  }
0x78: {  	s2 =	simm.s32 @!p1 $0x5  }
0x79: {  	_ =	swait.ge @!p1 [sflag:s2], $0x400  }
0x7a: {  	[sflag:s2] =	ssyncset.done @!p1 $0x0  }
0x7b: {  	[sflag:s2] =	ssyncadd.s32 @!p1 $0xFFFFFC00  }
.LBB2_1:
0x7c: {  	[tilespmem:s16], [sflag:$0x1] =	stream.linear.gather [hbm4b:s8+s6], $0x61A8, $0x38;
	[tilespmem:$0x1E0C8] =	vst v63  }
0x7d: {  	_ = 	snop  }
0x7e: {  	[tilespmem:s6], [sflag:$0x2] =	stream.strided.gather [hbm4b:s9+s17], $0x9C40, s18, s17, $0x38;
	[tilespmem:$0x1E0C8] =	vst v63  }
0x7f: {  	_ = 	snop  }
0x80: {  	[tilespmem:s19], [sflag:$0x3] =	stream.strided.gather [hbm4b:s10+s17], $0x9C40, s18, s17, $0x38;
	[tilespmem:$0x1E0C8] =	vst v63  }
0x81: {  	s2 =	simm.s32 @!p0 $0x0;
	s3 =	simm.s32 @!p0 $0x1DFC8;
	s4 =	rddreg [dreg:$0x2]  }
0x82: {  	[tilespmem:s3], [sflag:$0x5] =	stream.linear.gather @!p0 [hbm4b:s4+s2], $0x80, $0x38;
	[tilespmem:$0x1E0C8] =	vst v63  }
0x83: {  	s4 =	simm.s32 @!p0 $0x5  }
0x84: {  	_ =	swait.ge @!p0 [sflag:s4], $0x80  }
0x85: {  	[sflag:s4] =	ssyncset.done @!p0 $0x0  }
0x86: {  	s26 =	simm.s32 @!p0 $0x80;
	s28 =	simm.s32 @!p0 $0x1E048;
	[sflag:s4] =	ssyncadd.s32 @!p0 $0xFFFFFF80  }
0x87: {  	[tilespmem:s28], [sflag:$0x4] =	stream.indirect.gather @!p0 [hbm4b:s1+s26], $0x1, s3, s26, $0xb8;
	[tilespmem:$0x1E0C8] =	vst v63  }
0x88: {  	s3 =	simm.s32 @!p0 $0x4  }
0x89: {  	_ =	swait.ge @!p0 [sflag:s3], $0x80  }
0x8a: {  	[sflag:s3] =	ssyncset.done @!p0 $0x0  }
0x8b: {  	[sflag:s3] =	ssyncadd.s32 @!p0 $0xFFFFFF80  }
0x8c: {  	s3 =	rddreg [dreg:$0x4]  }
0x8d: {  	[hbm4b:s3+s2] =	stream.linear.scatter @!p0 [tilespmem:s28], [sflag:$0x5], $0x80, $0x38;
	[tilespmem:$0x1E0C8] =	vst v63  }
0x8e: {  	_ =	swait.ge @!p0 [sflag:s4], $0x80  }
0x8f: {  	[sflag:s4] =	ssyncset.done @!p0 $0x0  }
0x90: {  	s2 =	simm.s32 $0x0;
	[sflag:s4] =	ssyncadd.s32 @!p0 $0xFFFFFF80  }
.LBB2_2:
0x91: {  	p2 =	sne.s32 s2, $0xFFC0  }
.Ltmp2:
0x92: {  	_ = 	snop;
	(pc) =	sbr.rel @p2 .LBB2_2-.Ltmp2, $3  }
0x93: {  	_ =	sdelay $0x1  }
0x94: {  	s3 =	sshra.s32 s2, $0x2  }
0x95: {  	s2 =	sadd.s32 $0x40, s2;
	[tilespmem:s3+$0x19BC8] =	vst v0  }
0x96: {  	s2 =	simm.s32 $0x40;
	s3 =	simm.s32 $0x0  }
.LBB2_4:
0x97: {  	p2 =	sne.s32 s2, $0xFC0;
	[tilespmem:s3+$0x1DBC8] =	vst v0;
	s3 =	smov.u32 s2;
	s2 =	sadd.s32 $0x40, s2  }
.Ltmp3:
0x98: {  	(pc) =	sbr.rel @p2 .LBB2_4-.Ltmp3, $2  }
0x99: {  	_ =	sdelay $0x2  }
0x9a: {  	s3 =	sshra.s32 s3, $0x2  }
0x9b: {  	[tilespmem:s3+$0x1DBC8] =	vst v0  }
0x9c: {  	_ =	swait.ge [sflag:s20], $0x61A8  }
0x9d: {  	s26 =	simm.s32 $0x0;
	s3 =	simm.s32 $0x13A10;
	[sflag:s20] =	ssyncset.done $0x0  }
0x9e: {  	s29 =	simm.s32 $0x143D4;
	s30 =	simm.s32 $0x0;
	[sflag:s20] =	ssyncadd.s32 $0xFFFF9E58  }
.LBB2_6:
0x9f: {  	v34 =	vmov s26  }
0xa0: {  	v34 =	vshll.u32 v34, $0x4  }
0xa1: {  	v41 =	vor.u32 v2, v34  }
0xa2: {  	v34 =	vor.u32 v1, v41  }
0xa3: {  	_ =	swait.ge [sflag:s21], $0x9C40;
	v36 =	vor.u32 v3, v41  }
0xa4: {  	s2 =	simm.s32 $0x10;
	[sflag:s21] =	ssyncset.done $0x0;
	v37 =	vor.u32 v4, v41  }
0xa5: {  	v40 =	vmov s2;
	[sflag:s21] =	ssyncadd.s32 $0xFFFF63C0;
	v38 =	vor.u32 v5, v41  }
0xa6: {  	v40 =	vshll.u32 v40, $0x4;
	v39 =	vor.u32 v6, v41;
	v42 =	vld [tilespmem:s3+$0x0]  }
0xa7: {  	v58 =	vor.u32 v7, v41;
	v52 =	vor.u32 v2, v40;
	v35 =	vld.idx.msk [tilespmem:v34+s6+$0x0], $0xffff  }
0xa8: {  	v43 =	vor.u32 v1, v52;
	v36 =	vld.idx.msk [tilespmem:v36+s6+$0x0], $0xffff  }
0xa9: {  	v44 =	vor.u32 v3, v52;
	v37 =	vld.idx.msk [tilespmem:v37+s6+$0x0], $0xffff  }
0xaa: {  	v45 =	vor.u32 v4, v52;
	v38 =	vld.idx.msk [tilespmem:v38+s6+$0x0], $0xffff  }
0xab: {  	v59 =	vor.u32 v5, v52;
	v39 =	vld.idx.msk [tilespmem:v39+s6+$0x0], $0xffff  }
0xac: {  	v46 =	vor.u32 v6, v52;
	v40 =	vld.idx.msk [tilespmem:v58+s6+$0x0], $0xffff  }
0xad: {  	v47 =	vor.u32 v7, v52;
	v61 =	vld.idx.msk [tilespmem:v43+s6+$0x0], $0xffff  }
0xae: {  	v48 =	vor.u32 v8, v52;
	v62 =	vld.idx.msk [tilespmem:v44+s6+$0x0], $0xffff  }
0xaf: {  	v49 =	vor.u32 v9, v52;
	v43 =	vld.idx.msk [tilespmem:v45+s6+$0x0], $0xffff  }
0xb0: {  	v63 =	vor.u32 v10, v52;
	v44 =	vld.idx.msk [tilespmem:v59+s6+$0x0], $0xffff  }
0xb1: {  	v50 =	vor.u32 v11, v52;
	v45 =	vld.idx.msk [tilespmem:v46+s6+$0x0], $0xffff  }
0xb2: {  	v51 =	vor.u32 v12, v52;
	v46 =	vld.idx.msk [tilespmem:v47+s6+$0x0], $0xffff  }
0xb3: {  	v54 =	vor.u32 v13, v52;
	v47 =	vld.idx.msk [tilespmem:v48+s6+$0x0], $0xffff  }
0xb4: {  	v55 =	vor.u32 v14, v52;
	v48 =	vld.idx.msk [tilespmem:v49+s6+$0x0], $0xffff  }
0xb5: {  	v34 =	vor.u32 v15, v52;
	v49 =	vld.idx.msk [tilespmem:v63+s6+$0x0], $0xffff  }
0xb6: {  	v58 =	vor.u32 v16, v52;
	v50 =	vld.idx.msk [tilespmem:v50+s6+$0x0], $0xffff  }
0xb7: {  	v52 =	vor.u32 v17, v52;
	v53 =	vshll.u32 v42, $0x4;
	v51 =	vld.idx.msk [tilespmem:v51+s6+$0x0], $0xffff  }
0xb8: {  	v54 =	vld.idx.msk [tilespmem:v54+s6+$0x0], $0xffff;
	v63 =	vor.u32 v1, v53  }
0xb9: {  	v56 =	vld.idx.msk [tilespmem:v55+s6+$0x0], $0xffff;
	v18 =	vor.u32 v3, v53  }
0xba: {  	v59 =	vor.u32 v4, v53;
	v57 =	vld.idx.msk [tilespmem:v34+s6+$0x0], $0xffff  }
0xbb: {  	v60 =	vor.u32 v5, v53;
	v55 =	vld.idx.msk [tilespmem:v58+s6+$0x0], $0xffff  }
0xbc: {  	v52 =	vld.idx.msk [tilespmem:v52+s6+$0x0], $0xffff;
	v58 =	vor.u32 v6, v53  }
0xbd: {  	[tilespmem:v63+s22+$0x0] =	vst.idx.add.f32.msk $0xffff, v61;
	v61 =	vor.u32 v7, v53  }
0xbe: {  	s31 =	smul.u32 $0x1388, s30;
	s28 =	smov.u32 s3;
	s2 =	simm.s32 $0x20;
	[tilespmem:v18+s22+$0x0] =	vst.idx.add.f32.msk $0xffff, v62;
	v62 =	vor.u32 v8, v53  }
.LBB2_7:
0xbf: {  	p2 =	slt.u32 s2, $0x9A0;
	[tilespmem:v59+s22+$0x0] =	vst.idx.add.f32.msk $0xffff, v43;
	v18 =	vor.u32 v9, v53  }
0xc0: {  	v34 =	vor.u32 v10, v53;
	[tilespmem:v60+s22+$0x0] =	vst.idx.add.f32.msk $0xffff, v44  }
0xc1: {  	v43 =	vor.u32 v11, v53;
	[tilespmem:v58+s22+$0x0] =	vst.idx.add.f32.msk $0xffff, v45  }
0xc2: {  	v44 =	vor.u32 v12, v53;
	[tilespmem:v61+s22+$0x0] =	vst.idx.add.f32.msk $0xffff, v46  }
0xc3: {  	v45 =	vor.u32 v13, v53;
	[tilespmem:v62+s22+$0x0] =	vst.idx.add.f32.msk $0xffff, v47  }
0xc4: {  	[tilespmem:v18+s22+$0x0] =	vst.idx.add.f32.msk $0xffff, v48;
	v18 =	vor.u32 v14, v53  }
0xc5: {  	[tilespmem:v34+s22+$0x0] =	vst.idx.add.f32.msk $0xffff, v49;
	v34 =	vor.u32 v15, v53  }
0xc6: {  	[tilespmem:v43+s22+$0x0] =	vst.idx.add.f32.msk $0xffff, v50;
	v43 =	vor.u32 v16, v53  }
0xc7: {  	[tilespmem:v44+s22+$0x0] =	vst.idx.add.f32.msk $0xffff, v51;
	v44 =	vor.u32 v17, v53  }
0xc8: {  	[tilespmem:v45+s22+$0x0] =	vst.idx.add.f32.msk $0xffff, v54  }
0xc9: {  	[tilespmem:v18+s22+$0x0] =	vst.idx.add.f32.msk $0xffff, v56  }
0xca: {  	v18 =	vor.u32 v8, v41;
	[tilespmem:v34+s22+$0x0] =	vst.idx.add.f32.msk $0xffff, v57  }
0xcb: {  	v45 =	vor.u32 v9, v41;
	[tilespmem:v43+s22+$0x0] =	vst.idx.add.f32.msk $0xffff, v55  }
0xcc: {  	s4 =	simm.s32 @!p1 $0x1DBC8;
	v34 =	vimm.f32 @!p1 $1.000000000e+00;
	v43 =	vor.u32 v10, v41;
	[tilespmem:v44+s22+$0x0] =	vst.idx.add.f32.msk $0xffff, v52  }
0xcd: {  	v44 =	vor.u32 v11, v41;
	[tilespmem:v42+s4+$0x0] =	vst.idx.add.f32.msk @!p1 $0xffff, v34  }
0xce: {  	v46 =	vor.u32 v12, v41;
	v42 =	vld [tilespmem:s28+$0xFFFFFFF0]  }
0xcf: {  	v47 =	vor.u32 v13, v41;
	v18 =	vld.idx.msk [tilespmem:v18+s6+$0x0], $0xffff  }
0xd0: {  	v48 =	vor.u32 v14, v41;
	v45 =	vld.idx.msk [tilespmem:v45+s6+$0x0], $0xffff  }
0xd1: {  	v49 =	vor.u32 v15, v41;
	v43 =	vld.idx.msk [tilespmem:v43+s6+$0x0], $0xffff  }
0xd2: {  	v50 =	vor.u32 v16, v41;
	v44 =	vld.idx.msk [tilespmem:v44+s6+$0x0], $0xffff  }
0xd3: {  	v41 =	vor.u32 v17, v41;
	v46 =	vld.idx.msk [tilespmem:v46+s6+$0x0], $0xffff;
	v51 =	vshll.u32 v42, $0x4  }
0xd4: {  	v47 =	vld.idx.msk [tilespmem:v47+s6+$0x0], $0xffff;
	v52 =	vor.u32 v1, v51;
	v53 =	vor.u32 v3, v51;
	v54 =	vor.u32 v4, v51  }
0xd5: {  	v55 =	vor.u32 v5, v51;
	v56 =	vor.u32 v6, v51;
	v57 =	vor.u32 v7, v51;
	v48 =	vld.idx.msk [tilespmem:v48+s6+$0x0], $0xffff  }
0xd6: {  	v58 =	vor.u32 v8, v51;
	v59 =	vor.u32 v9, v51;
	v60 =	vor.u32 v10, v51;
	v49 =	vld.idx.msk [tilespmem:v49+s6+$0x0], $0xffff  }
0xd7: {  	v61 =	vor.u32 v11, v51;
	v62 =	vor.u32 v12, v51;
	v63 =	vor.u32 v13, v51;
	v50 =	vld.idx.msk [tilespmem:v50+s6+$0x0], $0xffff  }
0xd8: {  	v20 =	vor.u32 v14, v51;
	v21 =	vor.u32 v15, v51;
	v22 =	vor.u32 v16, v51;
	v19 =	vld.idx.msk [tilespmem:v41+s6+$0x0], $0xffff  }
0xd9: {  	[tilespmem:v52+s22+$0x0] =	vst.idx.add.f32.msk $0xffff, v35;
	v35 =	vor.u32 v17, v51  }
0xda: {  	[tilespmem:v53+s22+$0x0] =	vst.idx.add.f32.msk $0xffff, v36  }
0xdb: {  	[tilespmem:v54+s22+$0x0] =	vst.idx.add.f32.msk $0xffff, v37  }
0xdc: {  	[tilespmem:v55+s22+$0x0] =	vst.idx.add.f32.msk $0xffff, v38  }
0xdd: {  	[tilespmem:v56+s22+$0x0] =	vst.idx.add.f32.msk $0xffff, v39  }
0xde: {  	[tilespmem:v57+s22+$0x0] =	vst.idx.add.f32.msk $0xffff, v40  }
0xdf: {  	[tilespmem:v58+s22+$0x0] =	vst.idx.add.f32.msk $0xffff, v18  }
0xe0: {  	[tilespmem:v59+s22+$0x0] =	vst.idx.add.f32.msk $0xffff, v45  }
0xe1: {  	[tilespmem:v60+s22+$0x0] =	vst.idx.add.f32.msk $0xffff, v43  }
0xe2: {  	v18 =	vmov s2;
	[tilespmem:v61+s22+$0x0] =	vst.idx.add.f32.msk $0xffff, v44  }
0xe3: {  	v18 =	vshll.u32 v18, $0x4;
	[tilespmem:v62+s22+$0x0] =	vst.idx.add.f32.msk $0xffff, v46  }
0xe4: {  	v41 =	vor.u32 v2, v18;
	[tilespmem:v63+s22+$0x0] =	vst.idx.add.f32.msk $0xffff, v47  }
0xe5: {  	v18 =	vor.u32 v1, v41;
	[tilespmem:v20+s22+$0x0] =	vst.idx.add.f32.msk $0xffff, v48  }
0xe6: {  	v20 =	vor.u32 v3, v41;
	[tilespmem:v21+s22+$0x0] =	vst.idx.add.f32.msk $0xffff, v49  }
0xe7: {  	v21 =	vor.u32 v4, v41;
	[tilespmem:v22+s22+$0x0] =	vst.idx.add.f32.msk $0xffff, v50  }
0xe8: {  	s5 =	sadd.s32 $0x10, s2;
	v22 =	vor.u32 v5, v41;
	[tilespmem:v35+s22+$0x0] =	vst.idx.add.f32.msk $0xffff, v19  }
0xe9: {  	v36 =	vmov s5;
	v19 =	vor.u32 v6, v41;
	[tilespmem:v42+s4+$0x0] =	vst.idx.add.f32.msk @!p1 $0xffff, v34  }
0xea: {  	v37 =	vshll.u32 v36, $0x4;
	v35 =	vld.idx.msk [tilespmem:v18+s6+$0x0], $0xffff;
	v18 =	vor.u32 v7, v41  }
0xeb: {  	v36 =	vld.idx.msk [tilespmem:v20+s6+$0x0], $0xffff;
	v20 =	vor.u32 v2, v37  }
0xec: {  	v37 =	vld.idx.msk [tilespmem:v21+s6+$0x0], $0xffff;
	v21 =	vor.u32 v1, v20  }
0xed: {  	v38 =	vld.idx.msk [tilespmem:v22+s6+$0x0], $0xffff;
	v22 =	vor.u32 v3, v20  }
0xee: {  	v39 =	vld.idx.msk [tilespmem:v19+s6+$0x0], $0xffff;
	v19 =	vor.u32 v4, v20  }
0xef: {  	s28 =	sadd.s32 $0x20, s28;
	v40 =	vld.idx.msk [tilespmem:v18+s6+$0x0], $0xffff;
	v18 =	vor.u32 v5, v20  }
0xf0: {  	v45 =	vor.u32 v6, v20;
	v42 =	vld [tilespmem:s28+$0x0]  }
0xf1: {  	v46 =	vor.u32 v7, v20;
	v21 =	vld.idx.msk [tilespmem:v21+s6+$0x0], $0xffff  }
0xf2: {  	v47 =	vor.u32 v8, v20;
	v22 =	vld.idx.msk [tilespmem:v22+s6+$0x0], $0xffff  }
0xf3: {  	v43 =	vld.idx.msk [tilespmem:v19+s6+$0x0], $0xffff;
	v19 =	vor.u32 v9, v20  }
0xf4: {  	v44 =	vld.idx.msk [tilespmem:v18+s6+$0x0], $0xffff;
	v18 =	vor.u32 v10, v20  }
0xf5: {  	v50 =	vor.u32 v11, v20;
	v45 =	vld.idx.msk [tilespmem:v45+s6+$0x0], $0xffff  }
0xf6: {  	v51 =	vor.u32 v12, v20;
	v46 =	vld.idx.msk [tilespmem:v46+s6+$0x0], $0xffff  }
0xf7: {  	v52 =	vor.u32 v13, v20;
	v47 =	vld.idx.msk [tilespmem:v47+s6+$0x0], $0xffff  }
0xf8: {  	v48 =	vld.idx.msk [tilespmem:v19+s6+$0x0], $0xffff;
	v19 =	vor.u32 v14, v20  }
0xf9: {  	v49 =	vld.idx.msk [tilespmem:v18+s6+$0x0], $0xffff;
	v18 =	vor.u32 v15, v20  }
0xfa: {  	v55 =	vor.u32 v16, v20;
	v50 =	vld.idx.msk [tilespmem:v50+s6+$0x0], $0xffff  }
0xfb: {  	v53 =	vshll.u32 v42, $0x4;
	v20 =	vor.u32 v17, v20;
	v51 =	vld.idx.msk [tilespmem:v51+s6+$0x0], $0xffff  }
0xfc: {  	v61 =	vor.u32 v1, v53;
	v54 =	vld.idx.msk [tilespmem:v52+s6+$0x0], $0xffff  }
0xfd: {  	v56 =	vld.idx.msk [tilespmem:v19+s6+$0x0], $0xffff;
	v19 =	vor.u32 v3, v53  }
.Ltmp4:
0xfe: {  	v59 =	vor.u32 v4, v53;
	v57 =	vld.idx.msk [tilespmem:v18+s6+$0x0], $0xffff;
	(pc) =	sbr.rel @p2 .LBB2_7-.Ltmp4, $4  }
0xff: {  	v60 =	vor.u32 v5, v53;
	v55 =	vld.idx.msk [tilespmem:v55+s6+$0x0], $0xffff  }
0x100: {  	v58 =	vor.u32 v6, v53;
	v52 =	vld.idx.msk [tilespmem:v20+s6+$0x0], $0xffff  }
0x101: {  	[tilespmem:v61+s22+$0x0] =	vst.idx.add.f32.msk $0xffff, v21;
	v61 =	vor.u32 v7, v53  }
0x102: {  	s2 =	sadd.s32 $0x20, s2;
	v62 =	vor.u32 v8, v53;
	[tilespmem:v19+s22+$0x0] =	vst.idx.add.f32.msk $0xffff, v22  }
0x103: {  	_ =	sdelay $0x3  }
0x104: {  	[tilespmem:v59+s22+$0x0] =	vst.idx.add.f32.msk $0xffff, v43;
	v18 =	vor.u32 v9, v53  }
0x105: {  	v19 =	vor.u32 v10, v53;
	[tilespmem:v60+s22+$0x0] =	vst.idx.add.f32.msk $0xffff, v44  }
0x106: {  	v20 =	vor.u32 v11, v53;
	[tilespmem:v58+s22+$0x0] =	vst.idx.add.f32.msk $0xffff, v45  }
0x107: {  	v21 =	vor.u32 v12, v53;
	[tilespmem:v61+s22+$0x0] =	vst.idx.add.f32.msk $0xffff, v46  }
0x108: {  	v22 =	vor.u32 v13, v53;
	[tilespmem:v62+s22+$0x0] =	vst.idx.add.f32.msk $0xffff, v47  }
0x109: {  	[tilespmem:v18+s22+$0x0] =	vst.idx.add.f32.msk $0xffff, v48  }
0x10a: {  	v18 =	vor.u32 v14, v53;
	[tilespmem:v19+s22+$0x0] =	vst.idx.add.f32.msk $0xffff, v49  }
0x10b: {  	v19 =	vor.u32 v15, v53;
	[tilespmem:v20+s22+$0x0] =	vst.idx.add.f32.msk $0xffff, v50  }
0x10c: {  	v20 =	vor.u32 v16, v53;
	[tilespmem:v21+s22+$0x0] =	vst.idx.add.f32.msk $0xffff, v51  }
0x10d: {  	v21 =	vor.u32 v17, v53;
	[tilespmem:v22+s22+$0x0] =	vst.idx.add.f32.msk $0xffff, v54  }
0x10e: {  	v53 =	vor.u32 v14, v41;
	v22 =	vld [tilespmem:s28+$0xFFFFFFF0]  }
0x10f: {  	[tilespmem:v18+s22+$0x0] =	vst.idx.add.f32.msk $0xffff, v56  }
0x110: {  	v51 =	vor.u32 v12, v41;
	[tilespmem:v19+s22+$0x0] =	vst.idx.add.f32.msk $0xffff, v57  }
0x111: {  	v54 =	vor.u32 v15, v41;
	[tilespmem:v20+s22+$0x0] =	vst.idx.add.f32.msk $0xffff, v55  }
0x112: {  	v18 =	vor.u32 v8, v41;
	[tilespmem:v21+s22+$0x0] =	vst.idx.add.f32.msk $0xffff, v52  }
0x113: {  	v56 =	vor.u32 v17, v41;
	v44 =	vld.idx.msk [tilespmem:v53+s6+$0x0], $0xffff  }
0x114: {  	v19 =	vor.u32 v9, v41;
	[tilespmem:v42+s4+$0x0] =	vst.idx.add.f32.msk @!p1 $0xffff, v34  }
0x115: {  	v20 =	vor.u32 v10, v41;
	v42 =	vld.idx.msk [tilespmem:v51+s6+$0x0], $0xffff  }
0x116: {  	v55 =	vor.u32 v16, v41;
	v45 =	vld.idx.msk [tilespmem:v54+s6+$0x0], $0xffff  }
0x117: {  	v21 =	vor.u32 v11, v41;
	v18 =	vld.idx.msk [tilespmem:v18+s6+$0x0], $0xffff  }
0x118: {  	v52 =	vor.u32 v13, v41;
	v57 =	vshll.u32 v22, $0x4;
	v41 =	vld.idx.msk [tilespmem:v56+s6+$0x0], $0xffff  }
0x119: {  	v58 =	vor.u32 v1, v57;
	v19 =	vld.idx.msk [tilespmem:v19+s6+$0x0], $0xffff  }
0x11a: {  	v59 =	vor.u32 v3, v57;
	v20 =	vld.idx.msk [tilespmem:v20+s6+$0x0], $0xffff  }
0x11b: {  	v60 =	vor.u32 v4, v57;
	v46 =	vld.idx.msk [tilespmem:v55+s6+$0x0], $0xffff  }
0x11c: {  	v61 =	vor.u32 v5, v57;
	v21 =	vld.idx.msk [tilespmem:v21+s6+$0x0], $0xffff  }
0x11d: {  	v62 =	vor.u32 v6, v57;
	v43 =	vld.idx.msk [tilespmem:v52+s6+$0x0], $0xffff  }
0x11e: {  	v63 =	vor.u32 v7, v57;
	[tilespmem:v58+s22+$0x0] =	vst.idx.add.f32.msk $0xffff, v35  }
0x11f: {  	v48 =	vor.u32 v8, v57;
	[tilespmem:v59+s22+$0x0] =	vst.idx.add.f32.msk $0xffff, v36  }
0x120: {  	v49 =	vor.u32 v9, v57;
	[tilespmem:v60+s22+$0x0] =	vst.idx.add.f32.msk $0xffff, v37  }
0x121: {  	v50 =	vor.u32 v10, v57;
	[tilespmem:v61+s22+$0x0] =	vst.idx.add.f32.msk $0xffff, v38  }
0x122: {  	v51 =	vor.u32 v11, v57;
	[tilespmem:v62+s22+$0x0] =	vst.idx.add.f32.msk $0xffff, v39  }
0x123: {  	v54 =	vor.u32 v12, v57;
	[tilespmem:v63+s22+$0x0] =	vst.idx.add.f32.msk $0xffff, v40  }
0x124: {  	v55 =	vor.u32 v13, v57;
	[tilespmem:v48+s22+$0x0] =	vst.idx.add.f32.msk $0xffff, v18  }
0x125: {  	v18 =	vor.u32 v14, v57;
	[tilespmem:v49+s22+$0x0] =	vst.idx.add.f32.msk $0xffff, v19  }
0x126: {  	v19 =	vor.u32 v15, v57;
	[tilespmem:v50+s22+$0x0] =	vst.idx.add.f32.msk $0xffff, v20  }
0x127: {  	v20 =	vor.u32 v16, v57;
	[tilespmem:v51+s22+$0x0] =	vst.idx.add.f32.msk $0xffff, v21  }
0x128: {  	v21 =	vor.u32 v17, v57;
	[tilespmem:v54+s22+$0x0] =	vst.idx.add.f32.msk $0xffff, v42  }
0x129: {  	[tilespmem:v55+s22+$0x0] =	vst.idx.add.f32.msk $0xffff, v43  }
0x12a: {  	[tilespmem:v18+s22+$0x0] =	vst.idx.add.f32.msk $0xffff, v44  }
0x12b: {  	[tilespmem:v19+s22+$0x0] =	vst.idx.add.f32.msk $0xffff, v45  }
0x12c: {  	[tilespmem:v20+s22+$0x0] =	vst.idx.add.f32.msk $0xffff, v46  }
0x12d: {  	[tilespmem:v21+s22+$0x0] =	vst.idx.add.f32.msk $0xffff, v41  }
0x12e: {  	[tilespmem:v22+s4+$0x0] =	vst.idx.add.f32.msk @!p1 $0xffff, v34  }
0x12f: {  	v20 =	vld [tilespmem:$0x1FFB0]  }
0x130: {  	v18 =	vld [tilespmem:s31+$0x143C0];
	_ =	sdelay $0x4  }
0x131: {  	v18 =	vnsel vm0, $0x0, v18  }
0x132: {  	v19 =	vshll.u32 v18, $0x4  }
0x133: {  	v21 =	vor.u32 v1, v19;
	v20 =	vld.idx.msk [tilespmem:v20+s6+$0x0], $0xf;
	_ =	sdelay $0x4  }
0x134: {  	[tilespmem:v21+s22+$0x0] =	vst.idx.add.f32.msk $0xf, v20  }
0x135: {  	v20 =	vld [tilespmem:$0x1FFC0];
	_ =	sdelay $0x7  }
0x136: {  	v21 =	vor.u32 v3, v19;
	v20 =	vld.idx.msk [tilespmem:v20+s6+$0x0], $0xf;
	_ =	sdelay $0x4  }
0x137: {  	[tilespmem:v21+s22+$0x0] =	vst.idx.add.f32.msk $0xf, v20  }
0x138: {  	v20 =	vld [tilespmem:$0x1FFD0];
	_ =	sdelay $0x7  }
0x139: {  	v21 =	vor.u32 v4, v19;
	v20 =	vld.idx.msk [tilespmem:v20+s6+$0x0], $0xf;
	_ =	sdelay $0x4  }
0x13a: {  	[tilespmem:v21+s22+$0x0] =	vst.idx.add.f32.msk $0xf, v20  }
0x13b: {  	v20 =	vld [tilespmem:$0x1FFE0];
	_ =	sdelay $0x7  }
0x13c: {  	v21 =	vor.u32 v5, v19;
	v20 =	vld.idx.msk [tilespmem:v20+s6+$0x0], $0xf;
	_ =	sdelay $0x4  }
0x13d: {  	[tilespmem:v21+s22+$0x0] =	vst.idx.add.f32.msk $0xf, v20  }
0x13e: {  	v20 =	vld [tilespmem:$0x1FFF0];
	_ =	sdelay $0x7  }
0x13f: {  	v21 =	vor.u32 v6, v19;
	v20 =	vld.idx.msk [tilespmem:v20+s6+$0x0], $0xf;
	_ =	sdelay $0x4  }
0x140: {  	[tilespmem:v21+s22+$0x0] =	vst.idx.add.f32.msk $0xf, v20  }
0x141: {  	v21 =	vor.u32 v7, v19;
	v20 =	vld.idx.msk [tilespmem:v23+s6+$0x0], $0xf;
	_ =	sdelay $0x4  }
0x142: {  	[tilespmem:v21+s22+$0x0] =	vst.idx.add.f32.msk $0xf, v20  }
0x143: {  	v21 =	vor.u32 v8, v19;
	v20 =	vld.idx.msk [tilespmem:v24+s6+$0x0], $0xf;
	_ =	sdelay $0x4  }
0x144: {  	[tilespmem:v21+s22+$0x0] =	vst.idx.add.f32.msk $0xf, v20  }
0x145: {  	v21 =	vor.u32 v9, v19;
	v20 =	vld.idx.msk [tilespmem:v25+s6+$0x0], $0xf;
	_ =	sdelay $0x4  }
0x146: {  	[tilespmem:v21+s22+$0x0] =	vst.idx.add.f32.msk $0xf, v20  }
0x147: {  	v21 =	vor.u32 v10, v19;
	v20 =	vld.idx.msk [tilespmem:v26+s6+$0x0], $0xf;
	_ =	sdelay $0x4  }
0x148: {  	[tilespmem:v21+s22+$0x0] =	vst.idx.add.f32.msk $0xf, v20  }
0x149: {  	v21 =	vor.u32 v11, v19;
	v20 =	vld.idx.msk [tilespmem:v27+s6+$0x0], $0xf;
	_ =	sdelay $0x4  }
0x14a: {  	[tilespmem:v21+s22+$0x0] =	vst.idx.add.f32.msk $0xf, v20  }
0x14b: {  	v21 =	vor.u32 v12, v19;
	v20 =	vld.idx.msk [tilespmem:v28+s6+$0x0], $0xf;
	_ =	sdelay $0x4  }
0x14c: {  	[tilespmem:v21+s22+$0x0] =	vst.idx.add.f32.msk $0xf, v20  }
0x14d: {  	v21 =	vor.u32 v13, v19;
	v20 =	vld.idx.msk [tilespmem:v29+s6+$0x0], $0xf;
	_ =	sdelay $0x4  }
0x14e: {  	[tilespmem:v21+s22+$0x0] =	vst.idx.add.f32.msk $0xf, v20  }
0x14f: {  	v21 =	vor.u32 v14, v19;
	v20 =	vld.idx.msk [tilespmem:v30+s6+$0x0], $0xf;
	_ =	sdelay $0x4  }
0x150: {  	[tilespmem:v21+s22+$0x0] =	vst.idx.add.f32.msk $0xf, v20  }
0x151: {  	v21 =	vor.u32 v15, v19;
	v20 =	vld.idx.msk [tilespmem:v31+s6+$0x0], $0xf;
	_ =	sdelay $0x4  }
0x152: {  	[tilespmem:v21+s22+$0x0] =	vst.idx.add.f32.msk $0xf, v20  }
0x153: {  	v21 =	vor.u32 v16, v19;
	v20 =	vld.idx.msk [tilespmem:v32+s6+$0x0], $0xf;
	_ =	sdelay $0x4  }
0x154: {  	[tilespmem:v21+s22+$0x0] =	vst.idx.add.f32.msk $0xf, v20  }
0x155: {  	p2 =	seq.s32 s30, $0x4;
	v19 =	vor.u32 v17, v19;
	v20 =	vld.idx.msk [tilespmem:v33+s6+$0x0], $0xf  }
0x156: {  	s2 =	sadd.s32 @!p2 s31, s11  }
0x157: {  	s5 =	simm.s32 $0x0;
	s2 =	sshll.u32 @!p2 s2, $0x7  }
0x158: {  	s2 =	sor.u32 @!p2 s7, s2;
	v21 =	vmov s5  }
0x159: {  	s2 =	sshrl.u32 @!p2 s2, $0x3;
	v21 =	vshll.u32 v21, $0x4  }
0x15a: {  	s2 =	sadd.s32 @!p2 s0, s2;
	v38 =	vor.u32 v2, v21;
	[tilespmem:v19+s22+$0x0] =	vst.idx.add.f32.msk $0xf, v20  }
0x15b: {  	s28 =	simm.s32 @!p2 $0x0;
	s5 =	simm.s32 @!p2 $0x80;
	[tilespmem:v18+s4+$0x0] =	vst.idx.add.f32.msk @!p1 $0xf, v34;
	s4 =	simm.s32 @!p2 $0x10;
	v18 =	vor.u32 v1, v38  }
0x15c: {  	v19 =	vor.u32 v3, v38;
	[tilespmem:s28], [sflag:$0x2] =	stream.strided.gather @!p2 [hbm4b:s2+s4], $0x9C40, s5, s4, $0x38;
	[tilespmem:$0x1E0C8] =	vst v63  }
0x15d: {  	v20 =	vor.u32 v4, v38;
	_ =	swait.ge [sflag:s23], $0x9C40  }
0x15e: {  	v21 =	vor.u32 v5, v38;
	s5 =	simm.s32 $0x10;
	[sflag:s23] =	ssyncset.done $0x0  }
0x15f: {  	v22 =	vor.u32 v6, v38;
	v56 =	vmov s5;
	[sflag:s23] =	ssyncadd.s32 $0xFFFF63C0  }
0x160: {  	v34 =	vshll.u32 v56, $0x4;
	v35 =	vld.idx.msk [tilespmem:v18+s19+$0x0], $0xffff  }
0x161: {  	v18 =	vor.u32 v7, v38;
	v36 =	vld.idx.msk [tilespmem:v19+s19+$0x0], $0xffff;
	v19 =	vor.u32 v2, v34  }
0x162: {  	v37 =	vld.idx.msk [tilespmem:v20+s19+$0x0], $0xffff;
	v20 =	vor.u32 v1, v19  }
0x163: {  	v39 =	vld.idx.msk [tilespmem:v21+s19+$0x0], $0xffff;
	v21 =	vor.u32 v3, v19  }
0x164: {  	v40 =	vld.idx.msk [tilespmem:v22+s19+$0x0], $0xffff;
	v22 =	vor.u32 v4, v19  }
0x165: {  	v42 =	vld [tilespmem:s29+$0x0];
	v34 =	vor.u32 v6, v19  }
0x166: {  	v41 =	vld.idx.msk [tilespmem:v18+s19+$0x0], $0xffff;
	v18 =	vor.u32 v5, v19  }
0x167: {  	v57 =	vor.u32 v7, v19;
	v20 =	vld.idx.msk [tilespmem:v20+s19+$0x0], $0xffff  }
0x168: {  	v58 =	vor.u32 v8, v19;
	v21 =	vld.idx.msk [tilespmem:v21+s19+$0x0], $0xffff  }
0x169: {  	v43 =	vld.idx.msk [tilespmem:v22+s19+$0x0], $0xffff;
	v22 =	vor.u32 v9, v19  }
0x16a: {  	v59 =	vor.u32 v11, v19;
	v45 =	vld.idx.msk [tilespmem:v34+s19+$0x0], $0xffff  }
0x16b: {  	v44 =	vld.idx.msk [tilespmem:v18+s19+$0x0], $0xffff;
	v18 =	vor.u32 v10, v19  }
0x16c: {  	v60 =	vor.u32 v12, v19;
	v46 =	vld.idx.msk [tilespmem:v57+s19+$0x0], $0xffff  }
0x16d: {  	v61 =	vor.u32 v13, v19;
	v47 =	vld.idx.msk [tilespmem:v58+s19+$0x0], $0xffff  }
0x16e: {  	v48 =	vld.idx.msk [tilespmem:v22+s19+$0x0], $0xffff;
	v22 =	vor.u32 v14, v19  }
0x16f: {  	v62 =	vor.u32 v16, v19;
	v50 =	vld.idx.msk [tilespmem:v59+s19+$0x0], $0xffff  }
0x170: {  	v49 =	vld.idx.msk [tilespmem:v18+s19+$0x0], $0xffff;
	v18 =	vor.u32 v15, v19  }
0x171: {  	v53 =	vshll.u32 v42, $0x4;
	v51 =	vld.idx.msk [tilespmem:v60+s19+$0x0], $0xffff;
	v19 =	vor.u32 v17, v19  }
0x172: {  	v54 =	vld.idx.msk [tilespmem:v61+s19+$0x0], $0xffff;
	v63 =	vor.u32 v1, v53  }
0x173: {  	v56 =	vld.idx.msk [tilespmem:v22+s19+$0x0], $0xffff;
	v22 =	vor.u32 v3, v53  }
0x174: {  	v55 =	vld.idx.msk [tilespmem:v62+s19+$0x0], $0xffff;
	v59 =	vor.u32 v4, v53  }
0x175: {  	v62 =	vor.u32 v5, v53;
	v57 =	vld.idx.msk [tilespmem:v18+s19+$0x0], $0xffff  }
0x176: {  	v60 =	vor.u32 v6, v53;
	v52 =	vld.idx.msk [tilespmem:v19+s19+$0x0], $0xffff  }
0x177: {  	v61 =	vor.u32 v7, v53;
	[tilespmem:v63+s22+$0x0] =	vst.idx.add.f32.msk $0xffff, v20  }
0x178: {  	s2 =	simm.s32 $0x20;
	s28 =	smov.u32 s29;
	v58 =	vor.u32 v8, v53;
	[tilespmem:v22+s22+$0x0] =	vst.idx.add.f32.msk $0xffff, v21  }
.LBB2_9:
0x179: {  	p3 =	slt.u32 s2, $0x9A0;
	[tilespmem:v59+s22+$0x0] =	vst.idx.add.f32.msk $0xffff, v43;
	v18 =	vor.u32 v9, v53  }
0x17a: {  	v19 =	vor.u32 v10, v53;
	[tilespmem:v62+s22+$0x0] =	vst.idx.add.f32.msk $0xffff, v44  }
0x17b: {  	v20 =	vor.u32 v11, v53;
	[tilespmem:v60+s22+$0x0] =	vst.idx.add.f32.msk $0xffff, v45  }
0x17c: {  	v21 =	vor.u32 v12, v53;
	[tilespmem:v61+s22+$0x0] =	vst.idx.add.f32.msk $0xffff, v46  }
0x17d: {  	v22 =	vor.u32 v13, v53;
	[tilespmem:v58+s22+$0x0] =	vst.idx.add.f32.msk $0xffff, v47  }
0x17e: {  	[tilespmem:v18+s22+$0x0] =	vst.idx.add.f32.msk $0xffff, v48;
	v18 =	vor.u32 v14, v53  }
0x17f: {  	[tilespmem:v19+s22+$0x0] =	vst.idx.add.f32.msk $0xffff, v49;
	v19 =	vor.u32 v15, v53  }
0x180: {  	[tilespmem:v20+s22+$0x0] =	vst.idx.add.f32.msk $0xffff, v50;
	v20 =	vor.u32 v16, v53  }
0x181: {  	[tilespmem:v21+s22+$0x0] =	vst.idx.add.f32.msk $0xffff, v51;
	v21 =	vor.u32 v17, v53  }
0x182: {  	[tilespmem:v22+s22+$0x0] =	vst.idx.add.f32.msk $0xffff, v54  }
0x183: {  	[tilespmem:v18+s22+$0x0] =	vst.idx.add.f32.msk $0xffff, v56  }
0x184: {  	v18 =	vor.u32 v8, v38;
	[tilespmem:v19+s22+$0x0] =	vst.idx.add.f32.msk $0xffff, v57  }
0x185: {  	v19 =	vor.u32 v9, v38;
	[tilespmem:v20+s22+$0x0] =	vst.idx.add.f32.msk $0xffff, v55  }
0x186: {  	v34 =	vimm.f32 @!p1 $1.000000000e+00;
	s4 =	simm.s32 @!p1 $0x1DBC8;
	v20 =	vor.u32 v10, v38;
	[tilespmem:v21+s22+$0x0] =	vst.idx.add.f32.msk $0xffff, v52  }
0x187: {  	v21 =	vor.u32 v11, v38;
	[tilespmem:v42+s4+$0x0] =	vst.idx.add.f32.msk @!p1 $0xffff, v34  }
0x188: {  	v42 =	vor.u32 v12, v38;
	v22 =	vld [tilespmem:s28+$0xFFFFFFF0]  }
0x189: {  	v43 =	vor.u32 v13, v38;
	v18 =	vld.idx.msk [tilespmem:v18+s19+$0x0], $0xffff  }
0x18a: {  	v44 =	vor.u32 v14, v38;
	v19 =	vld.idx.msk [tilespmem:v19+s19+$0x0], $0xffff  }
0x18b: {  	v45 =	vor.u32 v15, v38;
	v20 =	vld.idx.msk [tilespmem:v20+s19+$0x0], $0xffff  }
0x18c: {  	v46 =	vor.u32 v16, v38;
	v21 =	vld.idx.msk [tilespmem:v21+s19+$0x0], $0xffff  }
0x18d: {  	v38 =	vor.u32 v17, v38;
	v42 =	vld.idx.msk [tilespmem:v42+s19+$0x0], $0xffff;
	v47 =	vshll.u32 v22, $0x4  }
0x18e: {  	v43 =	vld.idx.msk [tilespmem:v43+s19+$0x0], $0xffff;
	v48 =	vor.u32 v1, v47;
	v49 =	vor.u32 v3, v47;
	v50 =	vor.u32 v4, v47  }
0x18f: {  	v51 =	vor.u32 v5, v47;
	v52 =	vor.u32 v6, v47;
	v53 =	vor.u32 v7, v47;
	v44 =	vld.idx.msk [tilespmem:v44+s19+$0x0], $0xffff  }
0x190: {  	v54 =	vor.u32 v8, v47;
	v55 =	vor.u32 v9, v47;
	v56 =	vor.u32 v10, v47;
	v45 =	vld.idx.msk [tilespmem:v45+s19+$0x0], $0xffff  }
0x191: {  	v57 =	vor.u32 v11, v47;
	v58 =	vor.u32 v12, v47;
	v59 =	vor.u32 v13, v47;
	v46 =	vld.idx.msk [tilespmem:v46+s19+$0x0], $0xffff  }
0x192: {  	v61 =	vor.u32 v14, v47;
	v62 =	vor.u32 v15, v47;
	v63 =	vor.u32 v16, v47;
	v60 =	vld.idx.msk [tilespmem:v38+s19+$0x0], $0xffff  }
0x193: {  	[tilespmem:v48+s22+$0x0] =	vst.idx.add.f32.msk $0xffff, v35;
	v35 =	vor.u32 v17, v47  }
0x194: {  	[tilespmem:v49+s22+$0x0] =	vst.idx.add.f32.msk $0xffff, v36  }
0x195: {  	[tilespmem:v50+s22+$0x0] =	vst.idx.add.f32.msk $0xffff, v37  }
0x196: {  	[tilespmem:v51+s22+$0x0] =	vst.idx.add.f32.msk $0xffff, v39  }
0x197: {  	[tilespmem:v52+s22+$0x0] =	vst.idx.add.f32.msk $0xffff, v40  }
0x198: {  	[tilespmem:v53+s22+$0x0] =	vst.idx.add.f32.msk $0xffff, v41  }
0x199: {  	[tilespmem:v54+s22+$0x0] =	vst.idx.add.f32.msk $0xffff, v18  }
0x19a: {  	[tilespmem:v55+s22+$0x0] =	vst.idx.add.f32.msk $0xffff, v19  }
0x19b: {  	[tilespmem:v56+s22+$0x0] =	vst.idx.add.f32.msk $0xffff, v20  }
0x19c: {  	v18 =	vmov s2;
	[tilespmem:v57+s22+$0x0] =	vst.idx.add.f32.msk $0xffff, v21  }
0x19d: {  	v18 =	vshll.u32 v18, $0x4;
	[tilespmem:v58+s22+$0x0] =	vst.idx.add.f32.msk $0xffff, v42  }
0x19e: {  	v38 =	vor.u32 v2, v18;
	[tilespmem:v59+s22+$0x0] =	vst.idx.add.f32.msk $0xffff, v43  }
0x19f: {  	v18 =	vor.u32 v1, v38;
	[tilespmem:v61+s22+$0x0] =	vst.idx.add.f32.msk $0xffff, v44  }
0x1a0: {  	v19 =	vor.u32 v3, v38;
	[tilespmem:v62+s22+$0x0] =	vst.idx.add.f32.msk $0xffff, v45  }
0x1a1: {  	v20 =	vor.u32 v4, v38;
	[tilespmem:v63+s22+$0x0] =	vst.idx.add.f32.msk $0xffff, v46  }
0x1a2: {  	s5 =	sadd.s32 $0x10, s2;
	v21 =	vor.u32 v5, v38;
	[tilespmem:v35+s22+$0x0] =	vst.idx.add.f32.msk $0xffff, v60  }
0x1a3: {  	v36 =	vmov s5;
	v40 =	vor.u32 v6, v38;
	[tilespmem:v22+s4+$0x0] =	vst.idx.add.f32.msk @!p1 $0xffff, v34  }
0x1a4: {  	v22 =	vshll.u32 v36, $0x4;
	v35 =	vld.idx.msk [tilespmem:v18+s19+$0x0], $0xffff;
	v18 =	vor.u32 v7, v38  }
0x1a5: {  	v36 =	vld.idx.msk [tilespmem:v19+s19+$0x0], $0xffff;
	v19 =	vor.u32 v2, v22  }
0x1a6: {  	v37 =	vld.idx.msk [tilespmem:v20+s19+$0x0], $0xffff;
	v20 =	vor.u32 v1, v19  }
0x1a7: {  	v39 =	vld.idx.msk [tilespmem:v21+s19+$0x0], $0xffff;
	v21 =	vor.u32 v3, v19  }
0x1a8: {  	v22 =	vor.u32 v4, v19;
	v40 =	vld.idx.msk [tilespmem:v40+s19+$0x0], $0xffff  }
0x1a9: {  	s28 =	sadd.s32 $0x20, s28;
	v41 =	vld.idx.msk [tilespmem:v18+s19+$0x0], $0xffff;
	v18 =	vor.u32 v5, v19  }
0x1aa: {  	v45 =	vor.u32 v6, v19;
	v42 =	vld [tilespmem:s28+$0x0]  }
0x1ab: {  	v46 =	vor.u32 v7, v19;
	v20 =	vld.idx.msk [tilespmem:v20+s19+$0x0], $0xffff  }
0x1ac: {  	v47 =	vor.u32 v8, v19;
	v21 =	vld.idx.msk [tilespmem:v21+s19+$0x0], $0xffff  }
0x1ad: {  	v43 =	vld.idx.msk [tilespmem:v22+s19+$0x0], $0xffff;
	v22 =	vor.u32 v9, v19  }
0x1ae: {  	v44 =	vld.idx.msk [tilespmem:v18+s19+$0x0], $0xffff;
	v18 =	vor.u32 v10, v19  }
0x1af: {  	v50 =	vor.u32 v11, v19;
	v45 =	vld.idx.msk [tilespmem:v45+s19+$0x0], $0xffff  }
0x1b0: {  	v51 =	vor.u32 v12, v19;
	v46 =	vld.idx.msk [tilespmem:v46+s19+$0x0], $0xffff  }
0x1b1: {  	v52 =	vor.u32 v13, v19;
	v47 =	vld.idx.msk [tilespmem:v47+s19+$0x0], $0xffff  }
0x1b2: {  	v48 =	vld.idx.msk [tilespmem:v22+s19+$0x0], $0xffff;
	v22 =	vor.u32 v14, v19  }
0x1b3: {  	v49 =	vld.idx.msk [tilespmem:v18+s19+$0x0], $0xffff;
	v18 =	vor.u32 v15, v19  }
0x1b4: {  	v55 =	vor.u32 v16, v19;
	v50 =	vld.idx.msk [tilespmem:v50+s19+$0x0], $0xffff  }
0x1b5: {  	v53 =	vshll.u32 v42, $0x4;
	v19 =	vor.u32 v17, v19;
	v51 =	vld.idx.msk [tilespmem:v51+s19+$0x0], $0xffff  }
0x1b6: {  	v58 =	vor.u32 v1, v53;
	v54 =	vld.idx.msk [tilespmem:v52+s19+$0x0], $0xffff  }
0x1b7: {  	v56 =	vld.idx.msk [tilespmem:v22+s19+$0x0], $0xffff;
	v22 =	vor.u32 v3, v53  }
.Ltmp5:
0x1b8: {  	v59 =	vor.u32 v4, v53;
	v57 =	vld.idx.msk [tilespmem:v18+s19+$0x0], $0xffff;
	(pc) =	sbr.rel @p3 .LBB2_9-.Ltmp5, $4  }
0x1b9: {  	v62 =	vor.u32 v5, v53;
	v55 =	vld.idx.msk [tilespmem:v55+s19+$0x0], $0xffff  }
0x1ba: {  	v60 =	vor.u32 v6, v53;
	v52 =	vld.idx.msk [tilespmem:v19+s19+$0x0], $0xffff  }
0x1bb: {  	v61 =	vor.u32 v7, v53;
	[tilespmem:v58+s22+$0x0] =	vst.idx.add.f32.msk $0xffff, v20  }
0x1bc: {  	s2 =	sadd.s32 $0x20, s2;
	v58 =	vor.u32 v8, v53;
	[tilespmem:v22+s22+$0x0] =	vst.idx.add.f32.msk $0xffff, v21  }
0x1bd: {  	_ =	sdelay $0x3  }
0x1be: {  	[tilespmem:v59+s22+$0x0] =	vst.idx.add.f32.msk $0xffff, v43;
	v18 =	vor.u32 v9, v53  }
0x1bf: {  	v59 =	vor.u32 v16, v38;
	[tilespmem:v62+s22+$0x0] =	vst.idx.add.f32.msk $0xffff, v44  }
0x1c0: {  	v19 =	vor.u32 v10, v53;
	[tilespmem:v60+s22+$0x0] =	vst.idx.add.f32.msk $0xffff, v45  }
0x1c1: {  	v20 =	vor.u32 v11, v53;
	[tilespmem:v61+s22+$0x0] =	vst.idx.add.f32.msk $0xffff, v46  }
0x1c2: {  	v21 =	vor.u32 v12, v53;
	[tilespmem:v58+s22+$0x0] =	vst.idx.add.f32.msk $0xffff, v47  }
0x1c3: {  	v22 =	vor.u32 v13, v53;
	[tilespmem:v18+s22+$0x0] =	vst.idx.add.f32.msk $0xffff, v48  }
0x1c4: {  	v47 =	vld.idx.msk [tilespmem:v59+s19+$0x0], $0xffff  }
0x1c5: {  	v58 =	vor.u32 v15, v38;
	[tilespmem:v19+s22+$0x0] =	vst.idx.add.f32.msk $0xffff, v49  }
0x1c6: {  	v18 =	vor.u32 v14, v53;
	[tilespmem:v20+s22+$0x0] =	vst.idx.add.f32.msk $0xffff, v50  }
0x1c7: {  	v19 =	vor.u32 v15, v53;
	[tilespmem:v21+s22+$0x0] =	vst.idx.add.f32.msk $0xffff, v51  }
0x1c8: {  	v20 =	vor.u32 v16, v53;
	[tilespmem:v22+s22+$0x0] =	vst.idx.add.f32.msk $0xffff, v54  }
0x1c9: {  	v21 =	vor.u32 v17, v53;
	v22 =	vld [tilespmem:s28+$0xFFFFFFF0]  }
0x1ca: {  	v60 =	vor.u32 v17, v38;
	v46 =	vld.idx.msk [tilespmem:v58+s19+$0x0], $0xffff  }
0x1cb: {  	[tilespmem:v18+s22+$0x0] =	vst.idx.add.f32.msk $0xffff, v56;
	v18 =	vor.u32 v8, v38  }
0x1cc: {  	v56 =	vor.u32 v13, v38;
	[tilespmem:v19+s22+$0x0] =	vst.idx.add.f32.msk $0xffff, v57  }
0x1cd: {  	v19 =	vor.u32 v9, v38;
	[tilespmem:v20+s22+$0x0] =	vst.idx.add.f32.msk $0xffff, v55  }
0x1ce: {  	v57 =	vor.u32 v14, v38;
	[tilespmem:v21+s22+$0x0] =	vst.idx.add.f32.msk $0xffff, v52  }
0x1cf: {  	v20 =	vor.u32 v10, v38;
	v55 =	vor.u32 v12, v38;
	v21 =	vor.u32 v11, v38;
	v38 =	vld.idx.msk [tilespmem:v60+s19+$0x0], $0xffff  }
0x1d0: {  	v18 =	vld.idx.msk [tilespmem:v18+s19+$0x0], $0xffff  }
0x1d1: {  	v48 =	vshll.u32 v22, $0x4;
	v44 =	vld.idx.msk [tilespmem:v56+s19+$0x0], $0xffff  }
0x1d2: {  	v61 =	vor.u32 v1, v48;
	v19 =	vld.idx.msk [tilespmem:v19+s19+$0x0], $0xffff  }
0x1d3: {  	v62 =	vor.u32 v3, v48;
	v45 =	vld.idx.msk [tilespmem:v57+s19+$0x0], $0xffff  }
0x1d4: {  	v63 =	vor.u32 v4, v48;
	v20 =	vld.idx.msk [tilespmem:v20+s19+$0x0], $0xffff  }
0x1d5: {  	v56 =	vor.u32 v5, v48;
	v43 =	vld.idx.msk [tilespmem:v55+s19+$0x0], $0xffff  }
0x1d6: {  	v57 =	vor.u32 v6, v48;
	v21 =	vld.idx.msk [tilespmem:v21+s19+$0x0], $0xffff  }
0x1d7: {  	v58 =	vor.u32 v7, v48;
	[tilespmem:v61+s22+$0x0] =	vst.idx.add.f32.msk $0xffff, v35  }
0x1d8: {  	v59 =	vor.u32 v8, v48;
	[tilespmem:v62+s22+$0x0] =	vst.idx.add.f32.msk $0xffff, v36  }
0x1d9: {  	v60 =	vor.u32 v9, v48;
	[tilespmem:v63+s22+$0x0] =	vst.idx.add.f32.msk $0xffff, v37  }
0x1da: {  	v61 =	vor.u32 v10, v48;
	[tilespmem:v56+s22+$0x0] =	vst.idx.add.f32.msk $0xffff, v39  }
0x1db: {  	v62 =	vor.u32 v11, v48;
	[tilespmem:v57+s22+$0x0] =	vst.idx.add.f32.msk $0xffff, v40  }
0x1dc: {  	v63 =	vor.u32 v12, v48;
	[tilespmem:v58+s22+$0x0] =	vst.idx.add.f32.msk $0xffff, v41  }
0x1dd: {  	[tilespmem:v59+s22+$0x0] =	vst.idx.add.f32.msk $0xffff, v18;
	v18 =	vor.u32 v13, v48  }
0x1de: {  	[tilespmem:v60+s22+$0x0] =	vst.idx.add.f32.msk $0xffff, v19  }
0x1df: {  	v19 =	vor.u32 v14, v48;
	[tilespmem:v61+s22+$0x0] =	vst.idx.add.f32.msk $0xffff, v20  }
0x1e0: {  	v20 =	vor.u32 v15, v48;
	[tilespmem:v62+s22+$0x0] =	vst.idx.add.f32.msk $0xffff, v21  }
0x1e1: {  	v21 =	vor.u32 v16, v48;
	[tilespmem:v63+s22+$0x0] =	vst.idx.add.f32.msk $0xffff, v43  }
0x1e2: {  	[tilespmem:v18+s22+$0x0] =	vst.idx.add.f32.msk $0xffff, v44;
	v18 =	vor.u32 v17, v48  }
0x1e3: {  	[tilespmem:v42+s4+$0x0] =	vst.idx.add.f32.msk @!p1 $0xffff, v34  }
0x1e4: {  	[tilespmem:v19+s22+$0x0] =	vst.idx.add.f32.msk $0xffff, v45  }
0x1e5: {  	[tilespmem:v20+s22+$0x0] =	vst.idx.add.f32.msk $0xffff, v46  }
0x1e6: {  	[tilespmem:v21+s22+$0x0] =	vst.idx.add.f32.msk $0xffff, v47  }
0x1e7: {  	[tilespmem:v18+s22+$0x0] =	vst.idx.add.f32.msk $0xffff, v38  }
0x1e8: {  	[tilespmem:v22+s4+$0x0] =	vst.idx.add.f32.msk @!p1 $0xffff, v34  }
0x1e9: {  	v20 =	vld [tilespmem:$0x1FFB0]  }
0x1ea: {  	v18 =	vld [tilespmem:s31+$0x14D84];
	_ =	sdelay $0x4  }
0x1eb: {  	v18 =	vnsel vm0, $0x0, v18  }
0x1ec: {  	v19 =	vshll.u32 v18, $0x4  }
0x1ed: {  	v21 =	vor.u32 v1, v19;
	v20 =	vld.idx.msk [tilespmem:v20+s19+$0x0], $0xf;
	_ =	sdelay $0x4  }
0x1ee: {  	[tilespmem:v21+s22+$0x0] =	vst.idx.add.f32.msk $0xf, v20  }
0x1ef: {  	v20 =	vld [tilespmem:$0x1FFC0];
	_ =	sdelay $0x7  }
0x1f0: {  	v21 =	vor.u32 v3, v19;
	v20 =	vld.idx.msk [tilespmem:v20+s19+$0x0], $0xf;
	_ =	sdelay $0x4  }
0x1f1: {  	[tilespmem:v21+s22+$0x0] =	vst.idx.add.f32.msk $0xf, v20  }
0x1f2: {  	v20 =	vld [tilespmem:$0x1FFD0];
	_ =	sdelay $0x7  }
0x1f3: {  	v21 =	vor.u32 v4, v19;
	v20 =	vld.idx.msk [tilespmem:v20+s19+$0x0], $0xf;
	_ =	sdelay $0x4  }
0x1f4: {  	[tilespmem:v21+s22+$0x0] =	vst.idx.add.f32.msk $0xf, v20  }
0x1f5: {  	v20 =	vld [tilespmem:$0x1FFE0];
	_ =	sdelay $0x7  }
0x1f6: {  	v21 =	vor.u32 v5, v19;
	v20 =	vld.idx.msk [tilespmem:v20+s19+$0x0], $0xf;
	_ =	sdelay $0x4  }
0x1f7: {  	[tilespmem:v21+s22+$0x0] =	vst.idx.add.f32.msk $0xf, v20  }
0x1f8: {  	v20 =	vld [tilespmem:$0x1FFF0];
	_ =	sdelay $0x7  }
0x1f9: {  	v21 =	vor.u32 v6, v19;
	v20 =	vld.idx.msk [tilespmem:v20+s19+$0x0], $0xf;
	_ =	sdelay $0x4  }
0x1fa: {  	[tilespmem:v21+s22+$0x0] =	vst.idx.add.f32.msk $0xf, v20  }
0x1fb: {  	v21 =	vor.u32 v7, v19;
	v20 =	vld.idx.msk [tilespmem:v23+s19+$0x0], $0xf;
	_ =	sdelay $0x4  }
0x1fc: {  	[tilespmem:v21+s22+$0x0] =	vst.idx.add.f32.msk $0xf, v20  }
0x1fd: {  	v21 =	vor.u32 v8, v19;
	v20 =	vld.idx.msk [tilespmem:v24+s19+$0x0], $0xf;
	_ =	sdelay $0x4  }
0x1fe: {  	[tilespmem:v21+s22+$0x0] =	vst.idx.add.f32.msk $0xf, v20  }
0x1ff: {  	v21 =	vor.u32 v9, v19;
	v20 =	vld.idx.msk [tilespmem:v25+s19+$0x0], $0xf;
	_ =	sdelay $0x4  }
0x200: {  	[tilespmem:v21+s22+$0x0] =	vst.idx.add.f32.msk $0xf, v20  }
0x201: {  	v21 =	vor.u32 v10, v19;
	v20 =	vld.idx.msk [tilespmem:v26+s19+$0x0], $0xf;
	_ =	sdelay $0x4  }
0x202: {  	[tilespmem:v21+s22+$0x0] =	vst.idx.add.f32.msk $0xf, v20  }
0x203: {  	v21 =	vor.u32 v11, v19;
	v20 =	vld.idx.msk [tilespmem:v27+s19+$0x0], $0xf;
	_ =	sdelay $0x4  }
0x204: {  	[tilespmem:v21+s22+$0x0] =	vst.idx.add.f32.msk $0xf, v20  }
0x205: {  	v21 =	vor.u32 v12, v19;
	v20 =	vld.idx.msk [tilespmem:v28+s19+$0x0], $0xf;
	_ =	sdelay $0x4  }
0x206: {  	[tilespmem:v21+s22+$0x0] =	vst.idx.add.f32.msk $0xf, v20  }
0x207: {  	v21 =	vor.u32 v13, v19;
	v20 =	vld.idx.msk [tilespmem:v29+s19+$0x0], $0xf;
	_ =	sdelay $0x4  }
0x208: {  	[tilespmem:v21+s22+$0x0] =	vst.idx.add.f32.msk $0xf, v20  }
0x209: {  	v21 =	vor.u32 v14, v19;
	v20 =	vld.idx.msk [tilespmem:v30+s19+$0x0], $0xf;
	_ =	sdelay $0x4  }
0x20a: {  	[tilespmem:v21+s22+$0x0] =	vst.idx.add.f32.msk $0xf, v20  }
0x20b: {  	v21 =	vor.u32 v15, v19;
	v20 =	vld.idx.msk [tilespmem:v31+s19+$0x0], $0xf;
	_ =	sdelay $0x4  }
0x20c: {  	[tilespmem:v21+s22+$0x0] =	vst.idx.add.f32.msk $0xf, v20  }
0x20d: {  	v21 =	vor.u32 v16, v19;
	v20 =	vld.idx.msk [tilespmem:v32+s19+$0x0], $0xf;
	_ =	sdelay $0x4  }
0x20e: {  	[tilespmem:v21+s22+$0x0] =	vst.idx.add.f32.msk $0xf, v20  }
0x20f: {  	v19 =	vor.u32 v17, v19;
	v20 =	vld.idx.msk [tilespmem:v33+s19+$0x0], $0xf;
	_ =	sdelay $0x1  }
.Ltmp6:
0x210: {  	_ = 	snop;
	(pc) =	sbr.rel @p2 .LBB2_12-.Ltmp6, $3  }
0x211: {  	_ =	sdelay $0x1  }
0x212: {  	[tilespmem:v19+s22+$0x0] =	vst.idx.add.f32.msk $0xf, v20  }
0x213: {  	[tilespmem:v18+s4+$0x0] =	vst.idx.add.f32.msk @!p1 $0xf, v34  }
0x214: {  	s2 =	sadd.s32 s31, s12  }
.Ltmp7:
0x215: {  	s2 =	sshll.u32 s2, $0x7;
	(pc) =	sbr.rel .LBB2_6-.Ltmp7, $4  }
0x216: {  	s2 =	sor.u32 s7, s2  }
0x217: {  	s30 =	sadd.s32 $0x1, s30;
	s2 =	sshrl.u32 s2, $0x3  }
0x218: {  	s3 =	sadd.s32 $0x1388, s3;
	s29 =	sadd.s32 $0x1388, s29;
	s2 =	sadd.s32 s0, s2  }
0x219: {  	[tilespmem:s19], [sflag:$0x3] =	stream.strided.gather [hbm4b:s2+s17], $0x9C40, s18, s17, $0x38;
	[tilespmem:$0x1E0C8] =	vst v63  }
.LBB2_13:
0x21a: {  	_ =	sfence.sel $0x180000  }
0x21b: {  	[bflag:$0x0] =	sbarrier.arrive $0xFFFF  }
0x21c: {  	_ =	strace $0x90000047  }
0x21d: {  	s0 =	stileid.u32;
	[bflag:$0x2] =	sbarrier.arrive $0xFFFF  }
0x21e: {  	p0 =	sne.s32 s0, $0x0;
	s0 =	rddreg [dreg:$0x5]  }
0x21f: {  	s0 =	sadd.s32 @!p0 $0x100000, s0  }
0x220: {  	[sflag:s0] =	ssyncadd.tile.s32 @!p0 $0x1;
	_ =	shalt  }
.Lfunc_end2:
_tile_overlayer_lowered:
.L_overlay_start_2:
0x221: {  	(tag) =	ssettag $0x2  }
0x222: {  	s0 =	rddreg [dreg:$0x0];
	s2 =	stileid.u32  }
0x223: {  	s1 =	rddreg [dreg:$0x1];
	p0 =	sne.s32 s2, $0x0  }
0x224: {  	s3 =	rddreg [dreg:$0x2];
	[bflag:$0x3] =	sbarrier.arrive $0xFFFF;
	s2 =	simm.s32 @!p0 $0x1C05  }
0x225: {  	[timem:s3], [sflag:s2] =	dma.local @!p0 [hbm:s0], s1  }
0x226: {  	s0 =	simm.s32 @!p0 $0x5  }
0x227: {  	_ =	swait.ge @!p0 [sflag:s0], s1  }
0x228: {  	s1 =	ssub.s32 @!p0 $0x0, s1;
	[sflag:s0] =	ssyncset.done @!p0 $0x0  }
0x229: {  	[sflag:s0] =	ssyncadd.s32 @!p0 s1  }
0x22a: {  	[bflag:$0x3] =	sbarrier.arrive $0xFFFF  }
0x22b: {  	_ =	shalt  }

</sc_bundles>
